<compile_context>
chip_gen: v7x
topology: tpu7x:2x2x1
jax: 0.10.2.dev20260603
libtpu: 0.0.44.dev20260713+nightly
codegen_flags: <defaults>
</compile_context>

<pallas_src>
import functools

import jax
import jax.numpy as jnp
from jax import lax
from jax.experimental import pallas as pl
from jax.experimental.pallas import tpu as pltpu
from jax.experimental.pallas import tpu_sc as plsc

_C = 1000
_B = 16384
_R = 1024
_NB = _B // _R
_GCH = 256
_NCH = _R // _GCH

_NC = 2
_NS = 16
_NW = _NC * _NS
_BPW = _B // _NW
_SCCH = 32
_NSC = _BPW // _SCCH


_CP = 1024


def _sc_xsum(x_hbm, t3_hbm, zeros_hbm, out_hbm, idx_v, rows_a, rows_b, acc,
             sem_a, sem_b, sem_c, sem_d):
    ssems = (sem_c, sem_d)
    c = lax.axis_index("c")
    s = lax.axis_index("s")
    wid = c * _NS + s
    base = wid * _BPW

    @pl.when(s == 0)
    def _zero():
        pltpu.sync_copy(zeros_hbm, acc)

    plsc.subcore_barrier()
    pltpu.sync_copy(t3_hbm.at[wid], idx_v)

    bufs = (rows_a, rows_b)
    rsems = (sem_a, sem_b)
    hr = [None, None]
    hs = [None, None]
    hr[0] = pltpu.async_copy(x_hbm.at[pl.ds(base, _SCCH)], rows_a, rsems[0])
    for j in range(_NSC):
        a = j % 2
        b = 1 - a
        if j + 1 < _NSC:
            if hs[b] is not None:
                hs[b].wait()
            hr[b] = pltpu.async_copy(
                x_hbm.at[pl.ds(base + (j + 1) * _SCCH, _SCCH)], bufs[b],
                rsems[b])
        hr[a].wait()
        hs[a] = pltpu.async_copy(bufs[a], acc.at[idx_v.at[j]], ssems[a],
                                 add=True)
    hs[0].wait()
    hs[1].wait()

    plsc.subcore_barrier()

    @pl.when(s == 0)
    def _flush():
        pltpu.sync_copy(acc, out_hbm.at[c])


def _ols_tc(tcol_ref, trow_ref, x_ref, grad_buf_ref, count_ref,
            term1_ref, grad_out_ref, count_out_ref, csacc_ref):
    i = pl.program_id(0)
    tcol = tcol_ref[0]
    trow = trow_ref[0]
    xb = x_ref[...]

    pred = jnp.argmax(xb, axis=1, keepdims=True).astype(jnp.int32)
    ex = jnp.exp(xb)
    s = jnp.sum(ex, axis=1, keepdims=True)
    mls = jnp.log(s)
    correct = (pred == tcol).astype(jnp.float32)

    ohT_b = (jax.lax.broadcasted_iota(jnp.int32, (_C, _R), 0)
             == trow).astype(jnp.bfloat16)

    mls_hi = mls.astype(jnp.bfloat16)
    mls_lo = (mls - mls_hi.astype(jnp.float32)).astype(jnp.bfloat16)
    rhs3 = jnp.concatenate(
        [correct.astype(jnp.bfloat16), mls_hi, mls_lo], axis=1)
    cs = jnp.dot(ohT_b, rhs3, preferred_element_type=jnp.float32)

    @pl.when(i == 0)
    def _init():
        csacc_ref[...] = cs
        grad_out_ref[...] = grad_buf_ref[...]

    @pl.when(i > 0)
    def _acc():
        csacc_ref[...] += cs

    rinv = correct / s
    for ch in range(_NCH):
        sl = slice(ch * _GCH, (ch + 1) * _GCH)

        @pl.when(jnp.sum(correct[sl, :]) > 0)
        def _grad(sl=sl):
            pmask = (ex[sl, :] * rinv[sl, :]).astype(jnp.bfloat16)
            gb = jnp.dot(ohT_b[:, sl], pmask,
                         preferred_element_type=jnp.float32)
            grad_out_ref[...] += gb

    @pl.when(i == _NB - 1)
    def _finish():
        count_out_ref[...] = count_ref[...] + csacc_ref[:, 0:1]
        term1_ref[...] = csacc_ref[:, 1:2] + csacc_ref[:, 2:3]


def _loss_tc(term1_ref, matrix_ref, xp_ref, loss_ref):
    xsum = xp_ref[0] + xp_ref[1]
    rowsum = jnp.sum(matrix_ref[...], axis=1, keepdims=True)
    t1 = jnp.sum(term1_ref[...] * rowsum, keepdims=True)
    t2 = jnp.sum(matrix_ref[...] * xsum, keepdims=True)
    loss_ref[...] = (t1 - t2) / _B


@jax.jit
def kernel(x, target, matrix, grad_buf, count):
    tcol = target.reshape(_NB, _R, 1)
    trow = target.reshape(_NB, 1, _R)
    t3 = target.reshape(_NW, _NSC, _SCCH)
    zeros = jnp.zeros((_C, _C), jnp.float32)

    xp = pl.kernel(
        _sc_xsum,
        out_type=jax.ShapeDtypeStruct((_NC, _C, _C), jnp.float32),
        mesh=plsc.VectorSubcoreMesh(core_axis_name="c", subcore_axis_name="s"),
        scratch_types=[
            pltpu.VMEM((_NSC, _SCCH), jnp.int32),
            pltpu.VMEM((_SCCH, _C), jnp.float32),
            pltpu.VMEM((_SCCH, _C), jnp.float32),
            pltpu.VMEM_SHARED((_C, _C), jnp.float32),
            pltpu.SemaphoreType.DMA,
            pltpu.SemaphoreType.DMA,
            pltpu.SemaphoreType.DMA,
            pltpu.SemaphoreType.DMA,
        ],
        compiler_params=pltpu.CompilerParams(use_tc_tiling_on_sc=False),
    )(x, t3, zeros)

    term1, new_grad, new_count = pl.pallas_call(
        _ols_tc,
        grid=(_NB,),
        in_specs=[
            pl.BlockSpec((1, _R, 1), lambda i: (i, 0, 0)),
            pl.BlockSpec((1, 1, _R), lambda i: (i, 0, 0)),
            pl.BlockSpec((_R, _C), lambda i: (i, 0)),
            pl.BlockSpec((_C, _C), lambda i: (0, 0)),
            pl.BlockSpec((_C, 1), lambda i: (0, 0)),
        ],
        out_specs=[
            pl.BlockSpec((_C, 1), lambda i: (0, 0)),
            pl.BlockSpec((_C, _C), lambda i: (0, 0)),
            pl.BlockSpec((_C, 1), lambda i: (0, 0)),
        ],
        out_shape=[
            jax.ShapeDtypeStruct((_C, 1), jnp.float32),
            jax.ShapeDtypeStruct((_C, _C), jnp.float32),
            jax.ShapeDtypeStruct((_C, 1), jnp.float32),
        ],
        scratch_shapes=[
            pltpu.VMEM((_C, 3), jnp.float32),
        ],
    )(tcol, trow, x, grad_buf, count)

    loss = pl.pallas_call(
        _loss_tc,
        out_shape=jax.ShapeDtypeStruct((1, 1), jnp.float32),
    )(term1, matrix, xp)
    return loss[0, 0], new_grad, new_count

# --- scband reference (transcript-rebuilt; emitter-appended) ---
"""Pipeline reference for scband-online-label-smoothing-3710851743799 (READ-ONLY COPY).

The authoritative reference and input builder live on the scoring server;
editing this copy changes nothing except your own understanding.
"""

import jax, jax.numpy as jnp
import numpy as np

NUM_CLASSES = 1000
BATCH = 16384


def setup_inputs(seed: int = 0) -> dict:
    key = jax.random.key(seed)
    k1, k2, k3 = jax.random.split(key, 3)
    x = jax.random.normal(k1, (BATCH, NUM_CLASSES), dtype=jnp.float32)
    target = jax.random.randint(k2, (BATCH,), 0, NUM_CLASSES, dtype=jnp.int32)
    # Learned/buffer state of the module. self.matrix starts as zeros in torch,
    # but that makes the loss identically zero; use a valid soft-label matrix
    # (rows on the simplex), as it would be after one .update() epoch.
    matrix = jax.nn.softmax(jax.random.normal(k3, (NUM_CLASSES, NUM_CLASSES), dtype=jnp.float32), axis=-1)
    grad_buf = jnp.zeros((NUM_CLASSES, NUM_CLASSES), dtype=jnp.float32)
    count = jnp.zeros((NUM_CLASSES, 1), dtype=jnp.float32)
    return {"x": x, "target": target, "matrix": matrix, "grad_buf": grad_buf, "count": count}


def reference(x, target, matrix, grad_buf, count):
    target = target.reshape(-1)
    logprobs = jax.nn.log_softmax(x, axis=-1)
    softlabel = jnp.take(matrix, target, axis=0)  # gather rows by class id
    loss = (-softlabel * logprobs).sum(axis=-1)
    # training-mode buffer update (uses detached probabilities)
    p = jax.nn.softmax(jax.lax.stop_gradient(x), axis=1)
    pred = jnp.argmax(p, axis=1)
    correct = (pred == target)
    p_masked = p * correct[:, None].astype(p.dtype)
    # self.grad[correct_label] += correct_p  (accumulating scatter-add by class)
    new_grad = grad_buf.at[target].add(p_masked)
    # Counter(correct_label) -> per-class histogram of correct predictions
    counts = jax.ops.segment_sum(correct.astype(jnp.float32), target, num_segments=NUM_CLASSES)
    new_count = count + counts[:, None]
    return loss.mean(), new_grad, new_count

if __name__ == "__main__":
    import jax
    _d = setup_inputs()
    print(jax.jit(kernel)(*tuple(_d.values())))

</pallas_src>

<mosaic_0001>
#map = affine_map<(d0, d1) -> (0, 0)>
#map1 = affine_map<(d0, d1) -> (0, 0, 0)>
module attributes {stable_mosaic.version = 14 : i64} {
  func.func @_sc_xsum(%arg0: i32, %arg1: i32, %arg2: memref<16384x1000xf32, #tpu.memory_space<hbm>>, %arg3: memref<32x16x32xi32, #tpu.memory_space<hbm>>, %arg4: memref<1000x1000xf32, #tpu.memory_space<hbm>>, %arg5: memref<2x1000x1000xf32, #tpu.memory_space<hbm>>, %arg6: memref<16x32xi32, #tpu.memory_space<vmem>>, %arg7: memref<32x1000xf32, #tpu.memory_space<vmem>>, %arg8: memref<32x1000xf32, #tpu.memory_space<vmem>>, %arg9: memref<1000x1000xf32, #tpu.memory_space<vmem_shared>>, %arg10: memref<!tpu.dma_semaphore, #tpu.memory_space<semaphore_mem>>, %arg11: memref<!tpu.dma_semaphore, #tpu.memory_space<semaphore_mem>>, %arg12: memref<!tpu.dma_semaphore, #tpu.memory_space<semaphore_mem>>, %arg13: memref<!tpu.dma_semaphore, #tpu.memory_space<semaphore_mem>>) attributes {dimension_semantics = [#tpu.dimension_semantics<core_parallel>, #tpu.dimension_semantics<subcore_parallel>], iteration_bounds = array<i64: 2, 16>, scalar_prefetch = 0 : i64, scratch_operands = 8 : i64, tpu.core_type = #tpu.core_type<sc_vector_subcore>, window_params = [{transform_indices = #map}, {transform_indices = #map1}, {transform_indices = #map}, {transform_indices = #map1}]} {
    %mul3A = arith.constant 16 : i32
    %mul3A_0 = arith.muli %arg0, %mul3A : i32
    %add3A = arith.addi %mul3A_0, %arg1 : i32
    %mul3A_1 = arith.constant 512 : i32
    %mul3A_2 = arith.muli %add3A, %mul3A_1 : i32
    %eq3A = arith.constant 0 : i32
    %eq3A_3 = arith.cmpi eq, %arg1, %eq3A : i32
    %convert_element_type3A = arith.extui %eq3A_3 : i1 to i32
    %cond3A = arith.constant 0 : i32
    %cond3A_4 = arith.cmpi ne, %convert_element_type3A, %cond3A : i32
    scf.if %cond3A_4 {
      "tpu.region"() ({
        %run_scoped3A = tpu.sem_alloc : memref<!tpu.dma_semaphore, #tpu.memory_space<semaphore_mem>>
        tpu.enqueue_dma source(%arg4 : memref<1000x1000xf32, #tpu.memory_space<hbm>>) target(%arg9 : memref<1000x1000xf32, #tpu.memory_space<vmem_shared>>) target_semaphore(%run_scoped3A : memref<!tpu.dma_semaphore, #tpu.memory_space<semaphore_mem>>)
        tpu.wait_dma2 semaphore(%run_scoped3A : memref<!tpu.dma_semaphore, #tpu.memory_space<semaphore_mem>>) src(%arg4 : memref<1000x1000xf32, #tpu.memory_space<hbm>>) dst(%arg9 : memref<1000x1000xf32, #tpu.memory_space<vmem_shared>>)
        tpu.yield
      }) : () -> ()
    } else {
    }
    %barrier3A = arith.constant 0 : index
    tpu.barrier barrier_id(%barrier3A)
    "tpu.region"() ({
      %run_scoped3A = tpu.sem_alloc : memref<!tpu.dma_semaphore, #tpu.memory_space<semaphore_mem>>
      %dma_start3A_391 = arith.constant 0 : i32
      %dma_start3A_392 = arith.constant 0 : i32
      %dma_start3A_393 = tpu.memref_slice %arg3[%add3A, %dma_start3A_391, %dma_start3A_392] : memref<32x16x32xi32, #tpu.memory_space<hbm>> -> memref<1x16x32xi32, #tpu.memory_space<hbm>>
      %dma_start3A_394 = tpu.memref_squeeze %dma_start3A_393 : memref<1x16x32xi32, #tpu.memory_space<hbm>> -> memref<16x32xi32, #tpu.memory_space<hbm>>
      %dma_start3A_395 = arith.constant 0 : i32
      %dma_start3A_396 = arith.constant 0 : i32
      %dma_start3A_397 = tpu.memref_slice %arg3[%add3A, %dma_start3A_395, %dma_start3A_396] : memref<32x16x32xi32, #tpu.memory_space<hbm>> -> memref<1x16x32xi32, #tpu.memory_space<hbm>>
      %dma_start3A_398 = tpu.memref_squeeze %dma_start3A_397 : memref<1x16x32xi32, #tpu.memory_space<hbm>> -> memref<16x32xi32, #tpu.memory_space<hbm>>
      tpu.enqueue_dma source(%dma_start3A_398 : memref<16x32xi32, #tpu.memory_space<hbm>>) target(%arg6 : memref<16x32xi32, #tpu.memory_space<vmem>>) target_semaphore(%run_scoped3A : memref<!tpu.dma_semaphore, #tpu.memory_space<semaphore_mem>>)
      %dma_wait3A_399 = arith.constant 0 : i32
      %dma_wait3A_400 = arith.constant 0 : i32
      %dma_wait3A_401 = tpu.memref_slice %arg3[%add3A, %dma_wait3A_399, %dma_wait3A_400] : memref<32x16x32xi32, #tpu.memory_space<hbm>> -> memref<1x16x32xi32, #tpu.memory_space<hbm>>
      %dma_wait3A_402 = tpu.memref_squeeze %dma_wait3A_401 : memref<1x16x32xi32, #tpu.memory_space<hbm>> -> memref<16x32xi32, #tpu.memory_space<hbm>>
      %dma_wait3A_403 = arith.constant 0 : i32
      %dma_wait3A_404 = arith.constant 0 : i32
      %dma_wait3A_405 = tpu.memref_slice %arg3[%add3A, %dma_wait3A_403, %dma_wait3A_404] : memref<32x16x32xi32, #tpu.memory_space<hbm>> -> memref<1x16x32xi32, #tpu.memory_space<hbm>>
      %dma_wait3A_406 = tpu.memref_squeeze %dma_wait3A_405 : memref<1x16x32xi32, #tpu.memory_space<hbm>> -> memref<16x32xi32, #tpu.memory_space<hbm>>
      tpu.wait_dma2 semaphore(%run_scoped3A : memref<!tpu.dma_semaphore, #tpu.memory_space<semaphore_mem>>) src(%dma_wait3A_406 : memref<16x32xi32, #tpu.memory_space<hbm>>) dst(%arg6 : memref<16x32xi32, #tpu.memory_space<vmem>>)
      tpu.yield
    }) : () -> ()
    %dma_start3A = arith.constant 0 : i32
    %dma_start3A_5 = tpu.memref_slice %arg2[%mul3A_2, %dma_start3A] : memref<16384x1000xf32, #tpu.memory_space<hbm>> -> memref<32x1000xf32, #tpu.memory_space<hbm>>
    %dma_start3A_6 = arith.constant 0 : i32
    %dma_start3A_7 = tpu.memref_slice %arg2[%mul3A_2, %dma_start3A_6] : memref<16384x1000xf32, #tpu.memory_space<hbm>> -> memref<32x1000xf32, #tpu.memory_space<hbm>>
    tpu.enqueue_dma source(%dma_start3A_7 : memref<32x1000xf32, #tpu.memory_space<hbm>>) target(%arg7 : memref<32x1000xf32, #tpu.memory_space<vmem>>) target_semaphore(%arg10 : memref<!tpu.dma_semaphore, #tpu.memory_space<semaphore_mem>>)
    %add3A_8 = arith.constant 32 : i32
    %add3A_9 = arith.addi %mul3A_2, %add3A_8 : i32
    %dma_start3A_10 = arith.constant 0 : i32
    %dma_start3A_11 = tpu.memref_slice %arg2[%add3A_9, %dma_start3A_10] : memref<16384x1000xf32, #tpu.memory_space<hbm>> -> memref<32x1000xf32, #tpu.memory_space<hbm>>
    %dma_start3A_12 = arith.constant 0 : i32
    %dma_start3A_13 = tpu.memref_slice %arg2[%add3A_9, %dma_start3A_12] : memref<16384x1000xf32, #tpu.memory_space<hbm>> -> memref<32x1000xf32, #tpu.memory_space<hbm>>
    tpu.enqueue_dma source(%dma_start3A_13 : memref<32x1000xf32, #tpu.memory_space<hbm>>) target(%arg8 : memref<32x1000xf32, #tpu.memory_space<vmem>>) target_semaphore(%arg11 : memref<!tpu.dma_semaphore, #tpu.memory_space<semaphore_mem>>)
    %dma_wait3A = arith.constant 0 : i32
    %dma_wait3A_14 = tpu.memref_slice %arg2[%mul3A_2, %dma_wait3A] : memref<16384x1000xf32, #tpu.memory_space<hbm>> -> memref<32x1000xf32, #tpu.memory_space<hbm>>
    %dma_wait3A_15 = arith.constant 0 : i32
    %dma_wait3A_16 = tpu.memref_slice %arg2[%mul3A_2, %dma_wait3A_15] : memref<16384x1000xf32, #tpu.memory_space<hbm>> -> memref<32x1000xf32, #tpu.memory_space<hbm>>
    tpu.wait_dma2 semaphore(%arg10 : memref<!tpu.dma_semaphore, #tpu.memory_space<semaphore_mem>>) src(%dma_wait3A_16 : memref<32x1000xf32, #tpu.memory_space<hbm>>) dst(%arg7 : memref<32x1000xf32, #tpu.memory_space<vmem>>)
    %dma_start3A_17 = arith.constant 0 : i32
    %dma_start3A_18 = arith.constant 0 : i32
    %dma_start3A_19 = tpu.memref_slice %arg6[%dma_start3A_17, %dma_start3A_18] : memref<16x32xi32, #tpu.memory_space<vmem>> -> memref<1x32xi32, #tpu.memory_space<vmem>>
    %dma_start3A_20 = tpu.memref_squeeze %dma_start3A_19 : memref<1x32xi32, #tpu.memory_space<vmem>> -> memref<32xi32, #tpu.memory_space<vmem>>
    %dma_start3A_21 = arith.constant 0 : i32
    %dma_start3A_22 = arith.constant 0 : i32
    %dma_start3A_23 = tpu.memref_slice %arg9[%dma_start3A_21, %dma_start3A_22] : memref<1000x1000xf32, #tpu.memory_space<vmem_shared>> -> memref<1000x1000xf32, #tpu.memory_space<vmem_shared>>
    tpu.enqueue_indirect_dma source(%arg7 : memref<32x1000xf32, #tpu.memory_space<vmem>>) target(%dma_start3A_23 : memref<1000x1000xf32, #tpu.memory_space<vmem_shared>>) offsets(%dma_start3A_20 : memref<32xi32, #tpu.memory_space<vmem>>) semaphore(%arg12 : memref<!tpu.dma_semaphore, #tpu.memory_space<semaphore_mem>>) {add = true}
    %dma_wait3A_24 = arith.constant 0 : i32
    %dma_wait3A_25 = arith.constant 0 : i32
    %dma_wait3A_26 = tpu.memref_slice %arg6[%dma_wait3A_24, %dma_wait3A_25] : memref<16x32xi32, #tpu.memory_space<vmem>> -> memref<1x32xi32, #tpu.memory_space<vmem>>
    %dma_wait3A_27 = tpu.memref_squeeze %dma_wait3A_26 : memref<1x32xi32, #tpu.memory_space<vmem>> -> memref<32xi32, #tpu.memory_space<vmem>>
    %dma_wait3A_28 = arith.constant 0 : i32
    %dma_wait3A_29 = arith.constant 0 : i32
    %dma_wait3A_30 = tpu.memref_slice %arg9[%dma_wait3A_28, %dma_wait3A_29] : memref<1000x1000xf32, #tpu.memory_space<vmem_shared>> -> memref<1000x1000xf32, #tpu.memory_space<vmem_shared>>
    tpu.wait_indirect_dma semaphore(%arg12 : memref<!tpu.dma_semaphore, #tpu.memory_space<semaphore_mem>>) src(%arg7 : memref<32x1000xf32, #tpu.memory_space<vmem>>) dst(%dma_wait3A_30 : memref<1000x1000xf32, #tpu.memory_space<vmem_shared>>)
    %add3A_31 = arith.constant 64 : i32
    %add3A_32 = arith.addi %mul3A_2, %add3A_31 : i32
    %dma_start3A_33 = arith.constant 0 : i32
    %dma_start3A_34 = tpu.memref_slice %arg2[%add3A_32, %dma_start3A_33] : memref<16384x1000xf32, #tpu.memory_space<hbm>> -> memref<32x1000xf32, #tpu.memory_space<hbm>>
    %dma_start3A_35 = arith.constant 0 : i32
    %dma_start3A_36 = tpu.memref_slice %arg2[%add3A_32, %dma_start3A_35] : memref<16384x1000xf32, #tpu.memory_space<hbm>> -> memref<32x1000xf32, #tpu.memory_space<hbm>>
    tpu.enqueue_dma source(%dma_start3A_36 : memref<32x1000xf32, #tpu.memory_space<hbm>>) target(%arg7 : memref<32x1000xf32, #tpu.memory_space<vmem>>) target_semaphore(%arg10 : memref<!tpu.dma_semaphore, #tpu.memory_space<semaphore_mem>>)
    %dma_wait3A_37 = arith.constant 0 : i32
    %dma_wait3A_38 = tpu.memref_slice %arg2[%add3A_9, %dma_wait3A_37] : memref<16384x1000xf32, #tpu.memory_space<hbm>> -> memref<32x1000xf32, #tpu.memory_space<hbm>>
    %dma_wait3A_39 = arith.constant 0 : i32
    %dma_wait3A_40 = tpu.memref_slice %arg2[%add3A_9, %dma_wait3A_39] : memref<16384x1000xf32, #tpu.memory_space<hbm>> -> memref<32x1000xf32, #tpu.memory_space<hbm>>
    tpu.wait_dma2 semaphore(%arg11 : memref<!tpu.dma_semaphore, #tpu.memory_space<semaphore_mem>>) src(%dma_wait3A_40 : memref<32x1000xf32, #tpu.memory_space<hbm>>) dst(%arg8 : memref<32x1000xf32, #tpu.memory_space<vmem>>)
    %dma_start3A_41 = arith.constant 1 : i32
    %dma_start3A_42 = arith.constant 0 : i32
    %dma_start3A_43 = tpu.memref_slice %arg6[%dma_start3A_41, %dma_start3A_42] : memref<16x32xi32, #tpu.memory_space<vmem>> -> memref<1x32xi32, #tpu.memory_space<vmem>>
    %dma_start3A_44 = tpu.memref_squeeze %dma_start3A_43 : memref<1x32xi32, #tpu.memory_space<vmem>> -> memref<32xi32, #tpu.memory_space<vmem>>
    %dma_start3A_45 = arith.constant 0 : i32
    %dma_start3A_46 = arith.constant 0 : i32
    %dma_start3A_47 = tpu.memref_slice %arg9[%dma_start3A_45, %dma_start3A_46] : memref<1000x1000xf32, #tpu.memory_space<vmem_shared>> -> memref<1000x1000xf32, #tpu.memory_space<vmem_shared>>
    tpu.enqueue_indirect_dma source(%arg8 : memref<32x1000xf32, #tpu.memory_space<vmem>>) target(%dma_start3A_47 : memref<1000x1000xf32, #tpu.memory_space<vmem_shared>>) offsets(%dma_start3A_44 : memref<32xi32, #tpu.memory_space<vmem>>) semaphore(%arg13 : memref<!tpu.dma_semaphore, #tpu.memory_space<semaphore_mem>>) {add = true}
    %dma_wait3A_48 = arith.constant 1 : i32
    %dma_wait3A_49 = arith.constant 0 : i32
    %dma_wait3A_50 = tpu.memref_slice %arg6[%dma_wait3A_48, %dma_wait3A_49] : memref<16x32xi32, #tpu.memory_space<vmem>> -> memref<1x32xi32, #tpu.memory_space<vmem>>
    %dma_wait3A_51 = tpu.memref_squeeze %dma_wait3A_50 : memref<1x32xi32, #tpu.memory_space<vmem>> -> memref<32xi32, #tpu.memory_space<vmem>>
    %dma_wait3A_52 = arith.constant 0 : i32
    %dma_wait3A_53 = arith.constant 0 : i32
    %dma_wait3A_54 = tpu.memref_slice %arg9[%dma_wait3A_52, %dma_wait3A_53] : memref<1000x1000xf32, #tpu.memory_space<vmem_shared>> -> memref<1000x1000xf32, #tpu.memory_space<vmem_shared>>
    tpu.wait_indirect_dma semaphore(%arg13 : memref<!tpu.dma_semaphore, #tpu.memory_space<semaphore_mem>>) src(%arg8 : memref<32x1000xf32, #tpu.memory_space<vmem>>) dst(%dma_wait3A_54 : memref<1000x1000xf32, #tpu.memory_space<vmem_shared>>)
    %add3A_55 = arith.constant 96 : i32
    %add3A_56 = arith.addi %mul3A_2, %add3A_55 : i32
    %dma_start3A_57 = arith.constant 0 : i32
    %dma_start3A_58 = tpu.memref_slice %arg2[%add3A_56, %dma_start3A_57] : memref<16384x1000xf32, #tpu.memory_space<hbm>> -> memref<32x1000xf32, #tpu.memory_space<hbm>>
    %dma_start3A_59 = arith.constant 0 : i32
    %dma_start3A_60 = tpu.memref_slice %arg2[%add3A_56, %dma_start3A_59] : memref<16384x1000xf32, #tpu.memory_space<hbm>> -> memref<32x1000xf32, #tpu.memory_space<hbm>>
    tpu.enqueue_dma source(%dma_start3A_60 : memref<32x1000xf32, #tpu.memory_space<hbm>>) target(%arg8 : memref<32x1000xf32, #tpu.memory_space<vmem>>) target_semaphore(%arg11 : memref<!tpu.dma_semaphore, #tpu.memory_space<semaphore_mem>>)
    %dma_wait3A_61 = arith.constant 0 : i32
    %dma_wait3A_62 = tpu.memref_slice %arg2[%add3A_32, %dma_wait3A_61] : memref<16384x1000xf32, #tpu.memory_space<hbm>> -> memref<32x1000xf32, #tpu.memory_space<hbm>>
    %dma_wait3A_63 = arith.constant 0 : i32
    %dma_wait3A_64 = tpu.memref_slice %arg2[%add3A_32, %dma_wait3A_63] : memref<16384x1000xf32, #tpu.memory_space<hbm>> -> memref<32x1000xf32, #tpu.memory_space<hbm>>
    tpu.wait_dma2 semaphore(%arg10 : memref<!tpu.dma_semaphore, #tpu.memory_space<semaphore_mem>>) src(%dma_wait3A_64 : memref<32x1000xf32, #tpu.memory_space<hbm>>) dst(%arg7 : memref<32x1000xf32, #tpu.memory_space<vmem>>)
    %dma_start3A_65 = arith.constant 2 : i32
    %dma_start3A_66 = arith.constant 0 : i32
    %dma_start3A_67 = tpu.memref_slice %arg6[%dma_start3A_65, %dma_start3A_66] : memref<16x32xi32, #tpu.memory_space<vmem>> -> memref<1x32xi32, #tpu.memory_space<vmem>>
    %dma_start3A_68 = tpu.memref_squeeze %dma_start3A_67 : memref<1x32xi32, #tpu.memory_space<vmem>> -> memref<32xi32, #tpu.memory_space<vmem>>
    %dma_start3A_69 = arith.constant 0 : i32
    %dma_start3A_70 = arith.constant 0 : i32
    %dma_start3A_71 = tpu.memref_slice %arg9[%dma_start3A_69, %dma_start3A_70] : memref<1000x1000xf32, #tpu.memory_space<vmem_shared>> -> memref<1000x1000xf32, #tpu.memory_space<vmem_shared>>
    tpu.enqueue_indirect_dma source(%arg7 : memref<32x1000xf32, #tpu.memory_space<vmem>>) target(%dma_start3A_71 : memref<1000x1000xf32, #tpu.memory_space<vmem_shared>>) offsets(%dma_start3A_68 : memref<32xi32, #tpu.memory_space<vmem>>) semaphore(%arg12 : memref<!tpu.dma_semaphore, #tpu.memory_space<semaphore_mem>>) {add = true}
    %dma_wait3A_72 = arith.constant 2 : i32
    %dma_wait3A_73 = arith.constant 0 : i32
    %dma_wait3A_74 = tpu.memref_slice %arg6[%dma_wait3A_72, %dma_wait3A_73] : memref<16x32xi32, #tpu.memory_space<vmem>> -> memref<1x32xi32, #tpu.memory_space<vmem>>
    %dma_wait3A_75 = tpu.memref_squeeze %dma_wait3A_74 : memref<1x32xi32, #tpu.memory_space<vmem>> -> memref<32xi32, #tpu.memory_space<vmem>>
    %dma_wait3A_76 = arith.constant 0 : i32
    %dma_wait3A_77 = arith.constant 0 : i32
    %dma_wait3A_78 = tpu.memref_slice %arg9[%dma_wait3A_76, %dma_wait3A_77] : memref<1000x1000xf32, #tpu.memory_space<vmem_shared>> -> memref<1000x1000xf32, #tpu.memory_space<vmem_shared>>
    tpu.wait_indirect_dma semaphore(%arg12 : memref<!tpu.dma_semaphore, #tpu.memory_space<semaphore_mem>>) src(%arg7 : memref<32x1000xf32, #tpu.memory_space<vmem>>) dst(%dma_wait3A_78 : memref<1000x1000xf32, #tpu.memory_space<vmem_shared>>)
    %add3A_79 = arith.constant 128 : i32
    %add3A_80 = arith.addi %mul3A_2, %add3A_79 : i32
    %dma_start3A_81 = arith.constant 0 : i32
    %dma_start3A_82 = tpu.memref_slice %arg2[%add3A_80, %dma_start3A_81] : memref<16384x1000xf32, #tpu.memory_space<hbm>> -> memref<32x1000xf32, #tpu.memory_space<hbm>>
    %dma_start3A_83 = arith.constant 0 : i32
    %dma_start3A_84 = tpu.memref_slice %arg2[%add3A_80, %dma_start3A_83] : memref<16384x1000xf32, #tpu.memory_space<hbm>> -> memref<32x1000xf32, #tpu.memory_space<hbm>>
    tpu.enqueue_dma source(%dma_start3A_84 : memref<32x1000xf32, #tpu.memory_space<hbm>>) target(%arg7 : memref<32x1000xf32, #tpu.memory_space<vmem>>) target_semaphore(%arg10 : memref<!tpu.dma_semaphore, #tpu.memory_space<semaphore_mem>>)
    %dma_wait3A_85 = arith.constant 0 : i32
    %dma_wait3A_86 = tpu.memref_slice %arg2[%add3A_56, %dma_wait3A_85] : memref<16384x1000xf32, #tpu.memory_space<hbm>> -> memref<32x1000xf32, #tpu.memory_space<hbm>>
    %dma_wait3A_87 = arith.constant 0 : i32
    %dma_wait3A_88 = tpu.memref_slice %arg2[%add3A_56, %dma_wait3A_87] : memref<16384x1000xf32, #tpu.memory_space<hbm>> -> memref<32x1000xf32, #tpu.memory_space<hbm>>
    tpu.wait_dma2 semaphore(%arg11 : memref<!tpu.dma_semaphore, #tpu.memory_space<semaphore_mem>>) src(%dma_wait3A_88 : memref<32x1000xf32, #tpu.memory_space<hbm>>) dst(%arg8 : memref<32x1000xf32, #tpu.memory_space<vmem>>)
    %dma_start3A_89 = arith.constant 3 : i32
    %dma_start3A_90 = arith.constant 0 : i32
    %dma_start3A_91 = tpu.memref_slice %arg6[%dma_start3A_89, %dma_start3A_90] : memref<16x32xi32, #tpu.memory_space<vmem>> -> memref<1x32xi32, #tpu.memory_space<vmem>>
    %dma_start3A_92 = tpu.memref_squeeze %dma_start3A_91 : memref<1x32xi32, #tpu.memory_space<vmem>> -> memref<32xi32, #tpu.memory_space<vmem>>
    %dma_start3A_93 = arith.constant 0 : i32
    %dma_start3A_94 = arith.constant 0 : i32
    %dma_start3A_95 = tpu.memref_slice %arg9[%dma_start3A_93, %dma_start3A_94] : memref<1000x1000xf32, #tpu.memory_space<vmem_shared>> -> memref<1000x1000xf32, #tpu.memory_space<vmem_shared>>
    tpu.enqueue_indirect_dma source(%arg8 : memref<32x1000xf32, #tpu.memory_space<vmem>>) target(%dma_start3A_95 : memref<1000x1000xf32, #tpu.memory_space<vmem_shared>>) offsets(%dma_start3A_92 : memref<32xi32, #tpu.memory_space<vmem>>) semaphore(%arg13 : memref<!tpu.dma_semaphore, #tpu.memory_space<semaphore_mem>>) {add = true}
    %dma_wait3A_96 = arith.constant 3 : i32
    %dma_wait3A_97 = arith.constant 0 : i32
    %dma_wait3A_98 = tpu.memref_slice %arg6[%dma_wait3A_96, %dma_wait3A_97] : memref<16x32xi32, #tpu.memory_space<vmem>> -> memref<1x32xi32, #tpu.memory_space<vmem>>
    %dma_wait3A_99 = tpu.memref_squeeze %dma_wait3A_98 : memref<1x32xi32, #tpu.memory_space<vmem>> -> memref<32xi32, #tpu.memory_space<vmem>>
    %dma_wait3A_100 = arith.constant 0 : i32
    %dma_wait3A_101 = arith.constant 0 : i32
    %dma_wait3A_102 = tpu.memref_slice %arg9[%dma_wait3A_100, %dma_wait3A_101] : memref<1000x1000xf32, #tpu.memory_space<vmem_shared>> -> memref<1000x1000xf32, #tpu.memory_space<vmem_shared>>
    tpu.wait_indirect_dma semaphore(%arg13 : memref<!tpu.dma_semaphore, #tpu.memory_space<semaphore_mem>>) src(%arg8 : memref<32x1000xf32, #tpu.memory_space<vmem>>) dst(%dma_wait3A_102 : memref<1000x1000xf32, #tpu.memory_space<vmem_shared>>)
    %add3A_103 = arith.constant 160 : i32
    %add3A_104 = arith.addi %mul3A_2, %add3A_103 : i32
    %dma_start3A_105 = arith.constant 0 : i32
    %dma_start3A_106 = tpu.memref_slice %arg2[%add3A_104, %dma_start3A_105] : memref<16384x1000xf32, #tpu.memory_space<hbm>> -> memref<32x1000xf32, #tpu.memory_space<hbm>>
    %dma_start3A_107 = arith.constant 0 : i32
    %dma_start3A_108 = tpu.memref_slice %arg2[%add3A_104, %dma_start3A_107] : memref<16384x1000xf32, #tpu.memory_space<hbm>> -> memref<32x1000xf32, #tpu.memory_space<hbm>>
    tpu.enqueue_dma source(%dma_start3A_108 : memref<32x1000xf32, #tpu.memory_space<hbm>>) target(%arg8 : memref<32x1000xf32, #tpu.memory_space<vmem>>) target_semaphore(%arg11 : memref<!tpu.dma_semaphore, #tpu.memory_space<semaphore_mem>>)
    %dma_wait3A_109 = arith.constant 0 : i32
    %dma_wait3A_110 = tpu.memref_slice %arg2[%add3A_80, %dma_wait3A_109] : memref<16384x1000xf32, #tpu.memory_space<hbm>> -> memref<32x1000xf32, #tpu.memory_space<hbm>>
    %dma_wait3A_111 = arith.constant 0 : i32
    %dma_wait3A_112 = tpu.memref_slice %arg2[%add3A_80, %dma_wait3A_111] : memref<16384x1000xf32, #tpu.memory_space<hbm>> -> memref<32x1000xf32, #tpu.memory_space<hbm>>
    tpu.wait_dma2 semaphore(%arg10 : memref<!tpu.dma_semaphore, #tpu.memory_space<semaphore_mem>>) src(%dma_wait3A_112 : memref<32x1000xf32, #tpu.memory_space<hbm>>) dst(%arg7 : memref<32x1000xf32, #tpu.memory_space<vmem>>)
    %dma_start3A_113 = arith.constant 4 : i32
    %dma_start3A_114 = arith.constant 0 : i32
    %dma_start3A_115 = tpu.memref_slice %arg6[%dma_start3A_113, %dma_start3A_114] : memref<16x32xi32, #tpu.memory_space<vmem>> -> memref<1x32xi32, #tpu.memory_space<vmem>>
    %dma_start3A_116 = tpu.memref_squeeze %dma_start3A_115 : memref<1x32xi32, #tpu.memory_space<vmem>> -> memref<32xi32, #tpu.memory_space<vmem>>
    %dma_start3A_117 = arith.constant 0 : i32
    %dma_start3A_118 = arith.constant 0 : i32
    %dma_start3A_119 = tpu.memref_slice %arg9[%dma_start3A_117, %dma_start3A_118] : memref<1000x1000xf32, #tpu.memory_space<vmem_shared>> -> memref<1000x1000xf32, #tpu.memory_space<vmem_shared>>
    tpu.enqueue_indirect_dma source(%arg7 : memref<32x1000xf32, #tpu.memory_space<vmem>>) target(%dma_start3A_119 : memref<1000x1000xf32, #tpu.memory_space<vmem_shared>>) offsets(%dma_start3A_116 : memref<32xi32, #tpu.memory_space<vmem>>) semaphore(%arg12 : memref<!tpu.dma_semaphore, #tpu.memory_space<semaphore_mem>>) {add = true}
    %dma_wait3A_120 = arith.constant 4 : i32
    %dma_wait3A_121 = arith.constant 0 : i32
    %dma_wait3A_122 = tpu.memref_slice %arg6[%dma_wait3A_120, %dma_wait3A_121] : memref<16x32xi32, #tpu.memory_space<vmem>> -> memref<1x32xi32, #tpu.memory_space<vmem>>
    %dma_wait3A_123 = tpu.memref_squeeze %dma_wait3A_122 : memref<1x32xi32, #tpu.memory_space<vmem>> -> memref<32xi32, #tpu.memory_space<vmem>>
    %dma_wait3A_124 = arith.constant 0 : i32
    %dma_wait3A_125 = arith.constant 0 : i32
    %dma_wait3A_126 = tpu.memref_slice %arg9[%dma_wait3A_124, %dma_wait3A_125] : memref<1000x1000xf32, #tpu.memory_space<vmem_shared>> -> memref<1000x1000xf32, #tpu.memory_space<vmem_shared>>
    tpu.wait_indirect_dma semaphore(%arg12 : memref<!tpu.dma_semaphore, #tpu.memory_space<semaphore_mem>>) src(%arg7 : memref<32x1000xf32, #tpu.memory_space<vmem>>) dst(%dma_wait3A_126 : memref<1000x1000xf32, #tpu.memory_space<vmem_shared>>)
    %add3A_127 = arith.constant 192 : i32
    %add3A_128 = arith.addi %mul3A_2, %add3A_127 : i32
    %dma_start3A_129 = arith.constant 0 : i32
    %dma_start3A_130 = tpu.memref_slice %arg2[%add3A_128, %dma_start3A_129] : memref<16384x1000xf32, #tpu.memory_space<hbm>> -> memref<32x1000xf32, #tpu.memory_space<hbm>>
    %dma_start3A_131 = arith.constant 0 : i32
    %dma_start3A_132 = tpu.memref_slice %arg2[%add3A_128, %dma_start3A_131] : memref<16384x1000xf32, #tpu.memory_space<hbm>> -> memref<32x1000xf32, #tpu.memory_space<hbm>>
    tpu.enqueue_dma source(%dma_start3A_132 : memref<32x1000xf32, #tpu.memory_space<hbm>>) target(%arg7 : memref<32x1000xf32, #tpu.memory_space<vmem>>) target_semaphore(%arg10 : memref<!tpu.dma_semaphore, #tpu.memory_space<semaphore_mem>>)
    %dma_wait3A_133 = arith.constant 0 : i32
    %dma_wait3A_134 = tpu.memref_slice %arg2[%add3A_104, %dma_wait3A_133] : memref<16384x1000xf32, #tpu.memory_space<hbm>> -> memref<32x1000xf32, #tpu.memory_space<hbm>>
    %dma_wait3A_135 = arith.constant 0 : i32
    %dma_wait3A_136 = tpu.memref_slice %arg2[%add3A_104, %dma_wait3A_135] : memref<16384x1000xf32, #tpu.memory_space<hbm>> -> memref<32x1000xf32, #tpu.memory_space<hbm>>
    tpu.wait_dma2 semaphore(%arg11 : memref<!tpu.dma_semaphore, #tpu.memory_space<semaphore_mem>>) src(%dma_wait3A_136 : memref<32x1000xf32, #tpu.memory_space<hbm>>) dst(%arg8 : memref<32x1000xf32, #tpu.memory_space<vmem>>)
    %dma_start3A_137 = arith.constant 5 : i32
    %dma_start3A_138 = arith.constant 0 : i32
    %dma_start3A_139 = tpu.memref_slice %arg6[%dma_start3A_137, %dma_start3A_138] : memref<16x32xi32, #tpu.memory_space<vmem>> -> memref<1x32xi32, #tpu.memory_space<vmem>>
    %dma_start3A_140 = tpu.memref_squeeze %dma_start3A_139 : memref<1x32xi32, #tpu.memory_space<vmem>> -> memref<32xi32, #tpu.memory_space<vmem>>
    %dma_start3A_141 = arith.constant 0 : i32
    %dma_start3A_142 = arith.constant 0 : i32
    %dma_start3A_143 = tpu.memref_slice %arg9[%dma_start3A_141, %dma_start3A_142] : memref<1000x1000xf32, #tpu.memory_space<vmem_shared>> -> memref<1000x1000xf32, #tpu.memory_space<vmem_shared>>
    tpu.enqueue_indirect_dma source(%arg8 : memref<32x1000xf32, #tpu.memory_space<vmem>>) target(%dma_start3A_143 : memref<1000x1000xf32, #tpu.memory_space<vmem_shared>>) offsets(%dma_start3A_140 : memref<32xi32, #tpu.memory_space<vmem>>) semaphore(%arg13 : memref<!tpu.dma_semaphore, #tpu.memory_space<semaphore_mem>>) {add = true}
    %dma_wait3A_144 = arith.constant 5 : i32
    %dma_wait3A_145 = arith.constant 0 : i32
    %dma_wait3A_146 = tpu.memref_slice %arg6[%dma_wait3A_144, %dma_wait3A_145] : memref<16x32xi32, #tpu.memory_space<vmem>> -> memref<1x32xi32, #tpu.memory_space<vmem>>
    %dma_wait3A_147 = tpu.memref_squeeze %dma_wait3A_146 : memref<1x32xi32, #tpu.memory_space<vmem>> -> memref<32xi32, #tpu.memory_space<vmem>>
    %dma_wait3A_148 = arith.constant 0 : i32
    %dma_wait3A_149 = arith.constant 0 : i32
    %dma_wait3A_150 = tpu.memref_slice %arg9[%dma_wait3A_148, %dma_wait3A_149] : memref<1000x1000xf32, #tpu.memory_space<vmem_shared>> -> memref<1000x1000xf32, #tpu.memory_space<vmem_shared>>
    tpu.wait_indirect_dma semaphore(%arg13 : memref<!tpu.dma_semaphore, #tpu.memory_space<semaphore_mem>>) src(%arg8 : memref<32x1000xf32, #tpu.memory_space<vmem>>) dst(%dma_wait3A_150 : memref<1000x1000xf32, #tpu.memory_space<vmem_shared>>)
    %add3A_151 = arith.constant 224 : i32
    %add3A_152 = arith.addi %mul3A_2, %add3A_151 : i32
    %dma_start3A_153 = arith.constant 0 : i32
    %dma_start3A_154 = tpu.memref_slice %arg2[%add3A_152, %dma_start3A_153] : memref<16384x1000xf32, #tpu.memory_space<hbm>> -> memref<32x1000xf32, #tpu.memory_space<hbm>>
    %dma_start3A_155 = arith.constant 0 : i32
    %dma_start3A_156 = tpu.memref_slice %arg2[%add3A_152, %dma_start3A_155] : memref<16384x1000xf32, #tpu.memory_space<hbm>> -> memref<32x1000xf32, #tpu.memory_space<hbm>>
    tpu.enqueue_dma source(%dma_start3A_156 : memref<32x1000xf32, #tpu.memory_space<hbm>>) target(%arg8 : memref<32x1000xf32, #tpu.memory_space<vmem>>) target_semaphore(%arg11 : memref<!tpu.dma_semaphore, #tpu.memory_space<semaphore_mem>>)
    %dma_wait3A_157 = arith.constant 0 : i32
    %dma_wait3A_158 = tpu.memref_slice %arg2[%add3A_128, %dma_wait3A_157] : memref<16384x1000xf32, #tpu.memory_space<hbm>> -> memref<32x1000xf32, #tpu.memory_space<hbm>>
    %dma_wait3A_159 = arith.constant 0 : i32
    %dma_wait3A_160 = tpu.memref_slice %arg2[%add3A_128, %dma_wait3A_159] : memref<16384x1000xf32, #tpu.memory_space<hbm>> -> memref<32x1000xf32, #tpu.memory_space<hbm>>
    tpu.wait_dma2 semaphore(%arg10 : memref<!tpu.dma_semaphore, #tpu.memory_space<semaphore_mem>>) src(%dma_wait3A_160 : memref<32x1000xf32, #tpu.memory_space<hbm>>) dst(%arg7 : memref<32x1000xf32, #tpu.memory_space<vmem>>)
    %dma_start3A_161 = arith.constant 6 : i32
    %dma_start3A_162 = arith.constant 0 : i32
    %dma_start3A_163 = tpu.memref_slice %arg6[%dma_start3A_161, %dma_start3A_162] : memref<16x32xi32, #tpu.memory_space<vmem>> -> memref<1x32xi32, #tpu.memory_space<vmem>>
    %dma_start3A_164 = tpu.memref_squeeze %dma_start3A_163 : memref<1x32xi32, #tpu.memory_space<vmem>> -> memref<32xi32, #tpu.memory_space<vmem>>
    %dma_start3A_165 = arith.constant 0 : i32
    %dma_start3A_166 = arith.constant 0 : i32
    %dma_start3A_167 = tpu.memref_slice %arg9[%dma_start3A_165, %dma_start3A_166] : memref<1000x1000xf32, #tpu.memory_space<vmem_shared>> -> memref<1000x1000xf32, #tpu.memory_space<vmem_shared>>
    tpu.enqueue_indirect_dma source(%arg7 : memref<32x1000xf32, #tpu.memory_space<vmem>>) target(%dma_start3A_167 : memref<1000x1000xf32, #tpu.memory_space<vmem_shared>>) offsets(%dma_start3A_164 : memref<32xi32, #tpu.memory_space<vmem>>) semaphore(%arg12 : memref<!tpu.dma_semaphore, #tpu.memory_space<semaphore_mem>>) {add = true}
    %dma_wait3A_168 = arith.constant 6 : i32
    %dma_wait3A_169 = arith.constant 0 : i32
    %dma_wait3A_170 = tpu.memref_slice %arg6[%dma_wait3A_168, %dma_wait3A_169] : memref<16x32xi32, #tpu.memory_space<vmem>> -> memref<1x32xi32, #tpu.memory_space<vmem>>
    %dma_wait3A_171 = tpu.memref_squeeze %dma_wait3A_170 : memref<1x32xi32, #tpu.memory_space<vmem>> -> memref<32xi32, #tpu.memory_space<vmem>>
    %dma_wait3A_172 = arith.constant 0 : i32
    %dma_wait3A_173 = arith.constant 0 : i32
    %dma_wait3A_174 = tpu.memref_slice %arg9[%dma_wait3A_172, %dma_wait3A_173] : memref<1000x1000xf32, #tpu.memory_space<vmem_shared>> -> memref<1000x1000xf32, #tpu.memory_space<vmem_shared>>
    tpu.wait_indirect_dma semaphore(%arg12 : memref<!tpu.dma_semaphore, #tpu.memory_space<semaphore_mem>>) src(%arg7 : memref<32x1000xf32, #tpu.memory_space<vmem>>) dst(%dma_wait3A_174 : memref<1000x1000xf32, #tpu.memory_space<vmem_shared>>)
    %add3A_175 = arith.constant 256 : i32
    %add3A_176 = arith.addi %mul3A_2, %add3A_175 : i32
    %dma_start3A_177 = arith.constant 0 : i32
    %dma_start3A_178 = tpu.memref_slice %arg2[%add3A_176, %dma_start3A_177] : memref<16384x1000xf32, #tpu.memory_space<hbm>> -> memref<32x1000xf32, #tpu.memory_space<hbm>>
    %dma_start3A_179 = arith.constant 0 : i32
    %dma_start3A_180 = tpu.memref_slice %arg2[%add3A_176, %dma_start3A_179] : memref<16384x1000xf32, #tpu.memory_space<hbm>> -> memref<32x1000xf32, #tpu.memory_space<hbm>>
    tpu.enqueue_dma source(%dma_start3A_180 : memref<32x1000xf32, #tpu.memory_space<hbm>>) target(%arg7 : memref<32x1000xf32, #tpu.memory_space<vmem>>) target_semaphore(%arg10 : memref<!tpu.dma_semaphore, #tpu.memory_space<semaphore_mem>>)
    %dma_wait3A_181 = arith.constant 0 : i32
    %dma_wait3A_182 = tpu.memref_slice %arg2[%add3A_152, %dma_wait3A_181] : memref<16384x1000xf32, #tpu.memory_space<hbm>> -> memref<32x1000xf32, #tpu.memory_space<hbm>>
    %dma_wait3A_183 = arith.constant 0 : i32
    %dma_wait3A_184 = tpu.memref_slice %arg2[%add3A_152, %dma_wait3A_183] : memref<16384x1000xf32, #tpu.memory_space<hbm>> -> memref<32x1000xf32, #tpu.memory_space<hbm>>
    tpu.wait_dma2 semaphore(%arg11 : memref<!tpu.dma_semaphore, #tpu.memory_space<semaphore_mem>>) src(%dma_wait3A_184 : memref<32x1000xf32, #tpu.memory_space<hbm>>) dst(%arg8 : memref<32x1000xf32, #tpu.memory_space<vmem>>)
    %dma_start3A_185 = arith.constant 7 : i32
    %dma_start3A_186 = arith.constant 0 : i32
    %dma_start3A_187 = tpu.memref_slice %arg6[%dma_start3A_185, %dma_start3A_186] : memref<16x32xi32, #tpu.memory_space<vmem>> -> memref<1x32xi32, #tpu.memory_space<vmem>>
    %dma_start3A_188 = tpu.memref_squeeze %dma_start3A_187 : memref<1x32xi32, #tpu.memory_space<vmem>> -> memref<32xi32, #tpu.memory_space<vmem>>
    %dma_start3A_189 = arith.constant 0 : i32
    %dma_start3A_190 = arith.constant 0 : i32
    %dma_start3A_191 = tpu.memref_slice %arg9[%dma_start3A_189, %dma_start3A_190] : memref<1000x1000xf32, #tpu.memory_space<vmem_shared>> -> memref<1000x1000xf32, #tpu.memory_space<vmem_shared>>
    tpu.enqueue_indirect_dma source(%arg8 : memref<32x1000xf32, #tpu.memory_space<vmem>>) target(%dma_start3A_191 : memref<1000x1000xf32, #tpu.memory_space<vmem_shared>>) offsets(%dma_start3A_188 : memref<32xi32, #tpu.memory_space<vmem>>) semaphore(%arg13 : memref<!tpu.dma_semaphore, #tpu.memory_space<semaphore_mem>>) {add = true}
    %dma_wait3A_192 = arith.constant 7 : i32
    %dma_wait3A_193 = arith.constant 0 : i32
    %dma_wait3A_194 = tpu.memref_slice %arg6[%dma_wait3A_192, %dma_wait3A_193] : memref<16x32xi32, #tpu.memory_space<vmem>> -> memref<1x32xi32, #tpu.memory_space<vmem>>
    %dma_wait3A_195 = tpu.memref_squeeze %dma_wait3A_194 : memref<1x32xi32, #tpu.memory_space<vmem>> -> memref<32xi32, #tpu.memory_space<vmem>>
    %dma_wait3A_196 = arith.constant 0 : i32
    %dma_wait3A_197 = arith.constant 0 : i32
    %dma_wait3A_198 = tpu.memref_slice %arg9[%dma_wait3A_196, %dma_wait3A_197] : memref<1000x1000xf32, #tpu.memory_space<vmem_shared>> -> memref<1000x1000xf32, #tpu.memory_space<vmem_shared>>
    tpu.wait_indirect_dma semaphore(%arg13 : memref<!tpu.dma_semaphore, #tpu.memory_space<semaphore_mem>>) src(%arg8 : memref<32x1000xf32, #tpu.memory_space<vmem>>) dst(%dma_wait3A_198 : memref<1000x1000xf32, #tpu.memory_space<vmem_shared>>)
    %add3A_199 = arith.constant 288 : i32
    %add3A_200 = arith.addi %mul3A_2, %add3A_199 : i32
    %dma_start3A_201 = arith.constant 0 : i32
    %dma_start3A_202 = tpu.memref_slice %arg2[%add3A_200, %dma_start3A_201] : memref<16384x1000xf32, #tpu.memory_space<hbm>> -> memref<32x1000xf32, #tpu.memory_space<hbm>>
    %dma_start3A_203 = arith.constant 0 : i32
    %dma_start3A_204 = tpu.memref_slice %arg2[%add3A_200, %dma_start3A_203] : memref<16384x1000xf32, #tpu.memory_space<hbm>> -> memref<32x1000xf32, #tpu.memory_space<hbm>>
    tpu.enqueue_dma source(%dma_start3A_204 : memref<32x1000xf32, #tpu.memory_space<hbm>>) target(%arg8 : memref<32x1000xf32, #tpu.memory_space<vmem>>) target_semaphore(%arg11 : memref<!tpu.dma_semaphore, #tpu.memory_space<semaphore_mem>>)
    %dma_wait3A_205 = arith.constant 0 : i32
    %dma_wait3A_206 = tpu.memref_slice %arg2[%add3A_176, %dma_wait3A_205] : memref<16384x1000xf32, #tpu.memory_space<hbm>> -> memref<32x1000xf32, #tpu.memory_space<hbm>>
    %dma_wait3A_207 = arith.constant 0 : i32
    %dma_wait3A_208 = tpu.memref_slice %arg2[%add3A_176, %dma_wait3A_207] : memref<16384x1000xf32, #tpu.memory_space<hbm>> -> memref<32x1000xf32, #tpu.memory_space<hbm>>
    tpu.wait_dma2 semaphore(%arg10 : memref<!tpu.dma_semaphore, #tpu.memory_space<semaphore_mem>>) src(%dma_wait3A_208 : memref<32x1000xf32, #tpu.memory_space<hbm>>) dst(%arg7 : memref<32x1000xf32, #tpu.memory_space<vmem>>)
    %dma_start3A_209 = arith.constant 8 : i32
    %dma_start3A_210 = arith.constant 0 : i32
    %dma_start3A_211 = tpu.memref_slice %arg6[%dma_start3A_209, %dma_start3A_210] : memref<16x32xi32, #tpu.memory_space<vmem>> -> memref<1x32xi32, #tpu.memory_space<vmem>>
    %dma_start3A_212 = tpu.memref_squeeze %dma_start3A_211 : memref<1x32xi32, #tpu.memory_space<vmem>> -> memref<32xi32, #tpu.memory_space<vmem>>
    %dma_start3A_213 = arith.constant 0 : i32
    %dma_start3A_214 = arith.constant 0 : i32
    %dma_start3A_215 = tpu.memref_slice %arg9[%dma_start3A_213, %dma_start3A_214] : memref<1000x1000xf32, #tpu.memory_space<vmem_shared>> -> memref<1000x1000xf32, #tpu.memory_space<vmem_shared>>
    tpu.enqueue_indirect_dma source(%arg7 : memref<32x1000xf32, #tpu.memory_space<vmem>>) target(%dma_start3A_215 : memref<1000x1000xf32, #tpu.memory_space<vmem_shared>>) offsets(%dma_start3A_212 : memref<32xi32, #tpu.memory_space<vmem>>) semaphore(%arg12 : memref<!tpu.dma_semaphore, #tpu.memory_space<semaphore_mem>>) {add = true}
    %dma_wait3A_216 = arith.constant 8 : i32
    %dma_wait3A_217 = arith.constant 0 : i32
    %dma_wait3A_218 = tpu.memref_slice %arg6[%dma_wait3A_216, %dma_wait3A_217] : memref<16x32xi32, #tpu.memory_space<vmem>> -> memref<1x32xi32, #tpu.memory_space<vmem>>
    %dma_wait3A_219 = tpu.memref_squeeze %dma_wait3A_218 : memref<1x32xi32, #tpu.memory_space<vmem>> -> memref<32xi32, #tpu.memory_space<vmem>>
    %dma_wait3A_220 = arith.constant 0 : i32
    %dma_wait3A_221 = arith.constant 0 : i32
    %dma_wait3A_222 = tpu.memref_slice %arg9[%dma_wait3A_220, %dma_wait3A_221] : memref<1000x1000xf32, #tpu.memory_space<vmem_shared>> -> memref<1000x1000xf32, #tpu.memory_space<vmem_shared>>
    tpu.wait_indirect_dma semaphore(%arg12 : memref<!tpu.dma_semaphore, #tpu.memory_space<semaphore_mem>>) src(%arg7 : memref<32x1000xf32, #tpu.memory_space<vmem>>) dst(%dma_wait3A_222 : memref<1000x1000xf32, #tpu.memory_space<vmem_shared>>)
    %add3A_223 = arith.constant 320 : i32
    %add3A_224 = arith.addi %mul3A_2, %add3A_223 : i32
    %dma_start3A_225 = arith.constant 0 : i32
    %dma_start3A_226 = tpu.memref_slice %arg2[%add3A_224, %dma_start3A_225] : memref<16384x1000xf32, #tpu.memory_space<hbm>> -> memref<32x1000xf32, #tpu.memory_space<hbm>>
    %dma_start3A_227 = arith.constant 0 : i32
    %dma_start3A_228 = tpu.memref_slice %arg2[%add3A_224, %dma_start3A_227] : memref<16384x1000xf32, #tpu.memory_space<hbm>> -> memref<32x1000xf32, #tpu.memory_space<hbm>>
    tpu.enqueue_dma source(%dma_start3A_228 : memref<32x1000xf32, #tpu.memory_space<hbm>>) target(%arg7 : memref<32x1000xf32, #tpu.memory_space<vmem>>) target_semaphore(%arg10 : memref<!tpu.dma_semaphore, #tpu.memory_space<semaphore_mem>>)
    %dma_wait3A_229 = arith.constant 0 : i32
    %dma_wait3A_230 = tpu.memref_slice %arg2[%add3A_200, %dma_wait3A_229] : memref<16384x1000xf32, #tpu.memory_space<hbm>> -> memref<32x1000xf32, #tpu.memory_space<hbm>>
    %dma_wait3A_231 = arith.constant 0 : i32
    %dma_wait3A_232 = tpu.memref_slice %arg2[%add3A_200, %dma_wait3A_231] : memref<16384x1000xf32, #tpu.memory_space<hbm>> -> memref<32x1000xf32, #tpu.memory_space<hbm>>
    tpu.wait_dma2 semaphore(%arg11 : memref<!tpu.dma_semaphore, #tpu.memory_space<semaphore_mem>>) src(%dma_wait3A_232 : memref<32x1000xf32, #tpu.memory_space<hbm>>) dst(%arg8 : memref<32x1000xf32, #tpu.memory_space<vmem>>)
    %dma_start3A_233 = arith.constant 9 : i32
    %dma_start3A_234 = arith.constant 0 : i32
    %dma_start3A_235 = tpu.memref_slice %arg6[%dma_start3A_233, %dma_start3A_234] : memref<16x32xi32, #tpu.memory_space<vmem>> -> memref<1x32xi32, #tpu.memory_space<vmem>>
    %dma_start3A_236 = tpu.memref_squeeze %dma_start3A_235 : memref<1x32xi32, #tpu.memory_space<vmem>> -> memref<32xi32, #tpu.memory_space<vmem>>
    %dma_start3A_237 = arith.constant 0 : i32
    %dma_start3A_238 = arith.constant 0 : i32
    %dma_start3A_239 = tpu.memref_slice %arg9[%dma_start3A_237, %dma_start3A_238] : memref<1000x1000xf32, #tpu.memory_space<vmem_shared>> -> memref<1000x1000xf32, #tpu.memory_space<vmem_shared>>
    tpu.enqueue_indirect_dma source(%arg8 : memref<32x1000xf32, #tpu.memory_space<vmem>>) target(%dma_start3A_239 : memref<1000x1000xf32, #tpu.memory_space<vmem_shared>>) offsets(%dma_start3A_236 : memref<32xi32, #tpu.memory_space<vmem>>) semaphore(%arg13 : memref<!tpu.dma_semaphore, #tpu.memory_space<semaphore_mem>>) {add = true}
    %dma_wait3A_240 = arith.constant 9 : i32
    %dma_wait3A_241 = arith.constant 0 : i32
    %dma_wait3A_242 = tpu.memref_slice %arg6[%dma_wait3A_240, %dma_wait3A_241] : memref<16x32xi32, #tpu.memory_space<vmem>> -> memref<1x32xi32, #tpu.memory_space<vmem>>
    %dma_wait3A_243 = tpu.memref_squeeze %dma_wait3A_242 : memref<1x32xi32, #tpu.memory_space<vmem>> -> memref<32xi32, #tpu.memory_space<vmem>>
    %dma_wait3A_244 = arith.constant 0 : i32
    %dma_wait3A_245 = arith.constant 0 : i32
    %dma_wait3A_246 = tpu.memref_slice %arg9[%dma_wait3A_244, %dma_wait3A_245] : memref<1000x1000xf32, #tpu.memory_space<vmem_shared>> -> memref<1000x1000xf32, #tpu.memory_space<vmem_shared>>
    tpu.wait_indirect_dma semaphore(%arg13 : memref<!tpu.dma_semaphore, #tpu.memory_space<semaphore_mem>>) src(%arg8 : memref<32x1000xf32, #tpu.memory_space<vmem>>) dst(%dma_wait3A_246 : memref<1000x1000xf32, #tpu.memory_space<vmem_shared>>)
    %add3A_247 = arith.constant 352 : i32
    %add3A_248 = arith.addi %mul3A_2, %add3A_247 : i32
    %dma_start3A_249 = arith.constant 0 : i32
    %dma_start3A_250 = tpu.memref_slice %arg2[%add3A_248, %dma_start3A_249] : memref<16384x1000xf32, #tpu.memory_space<hbm>> -> memref<32x1000xf32, #tpu.memory_space<hbm>>
    %dma_start3A_251 = arith.constant 0 : i32
    %dma_start3A_252 = tpu.memref_slice %arg2[%add3A_248, %dma_start3A_251] : memref<16384x1000xf32, #tpu.memory_space<hbm>> -> memref<32x1000xf32, #tpu.memory_space<hbm>>
    tpu.enqueue_dma source(%dma_start3A_252 : memref<32x1000xf32, #tpu.memory_space<hbm>>) target(%arg8 : memref<32x1000xf32, #tpu.memory_space<vmem>>) target_semaphore(%arg11 : memref<!tpu.dma_semaphore, #tpu.memory_space<semaphore_mem>>)
    %dma_wait3A_253 = arith.constant 0 : i32
    %dma_wait3A_254 = tpu.memref_slice %arg2[%add3A_224, %dma_wait3A_253] : memref<16384x1000xf32, #tpu.memory_space<hbm>> -> memref<32x1000xf32, #tpu.memory_space<hbm>>
    %dma_wait3A_255 = arith.constant 0 : i32
    %dma_wait3A_256 = tpu.memref_slice %arg2[%add3A_224, %dma_wait3A_255] : memref<16384x1000xf32, #tpu.memory_space<hbm>> -> memref<32x1000xf32, #tpu.memory_space<hbm>>
    tpu.wait_dma2 semaphore(%arg10 : memref<!tpu.dma_semaphore, #tpu.memory_space<semaphore_mem>>) src(%dma_wait3A_256 : memref<32x1000xf32, #tpu.memory_space<hbm>>) dst(%arg7 : memref<32x1000xf32, #tpu.memory_space<vmem>>)
    %dma_start3A_257 = arith.constant 10 : i32
    %dma_start3A_258 = arith.constant 0 : i32
    %dma_start3A_259 = tpu.memref_slice %arg6[%dma_start3A_257, %dma_start3A_258] : memref<16x32xi32, #tpu.memory_space<vmem>> -> memref<1x32xi32, #tpu.memory_space<vmem>>
    %dma_start3A_260 = tpu.memref_squeeze %dma_start3A_259 : memref<1x32xi32, #tpu.memory_space<vmem>> -> memref<32xi32, #tpu.memory_space<vmem>>
    %dma_start3A_261 = arith.constant 0 : i32
    %dma_start3A_262 = arith.constant 0 : i32
    %dma_start3A_263 = tpu.memref_slice %arg9[%dma_start3A_261, %dma_start3A_262] : memref<1000x1000xf32, #tpu.memory_space<vmem_shared>> -> memref<1000x1000xf32, #tpu.memory_space<vmem_shared>>
    tpu.enqueue_indirect_dma source(%arg7 : memref<32x1000xf32, #tpu.memory_space<vmem>>) target(%dma_start3A_263 : memref<1000x1000xf32, #tpu.memory_space<vmem_shared>>) offsets(%dma_start3A_260 : memref<32xi32, #tpu.memory_space<vmem>>) semaphore(%arg12 : memref<!tpu.dma_semaphore, #tpu.memory_space<semaphore_mem>>) {add = true}
    %dma_wait3A_264 = arith.constant 10 : i32
    %dma_wait3A_265 = arith.constant 0 : i32
    %dma_wait3A_266 = tpu.memref_slice %arg6[%dma_wait3A_264, %dma_wait3A_265] : memref<16x32xi32, #tpu.memory_space<vmem>> -> memref<1x32xi32, #tpu.memory_space<vmem>>
    %dma_wait3A_267 = tpu.memref_squeeze %dma_wait3A_266 : memref<1x32xi32, #tpu.memory_space<vmem>> -> memref<32xi32, #tpu.memory_space<vmem>>
    %dma_wait3A_268 = arith.constant 0 : i32
    %dma_wait3A_269 = arith.constant 0 : i32
    %dma_wait3A_270 = tpu.memref_slice %arg9[%dma_wait3A_268, %dma_wait3A_269] : memref<1000x1000xf32, #tpu.memory_space<vmem_shared>> -> memref<1000x1000xf32, #tpu.memory_space<vmem_shared>>
    tpu.wait_indirect_dma semaphore(%arg12 : memref<!tpu.dma_semaphore, #tpu.memory_space<semaphore_mem>>) src(%arg7 : memref<32x1000xf32, #tpu.memory_space<vmem>>) dst(%dma_wait3A_270 : memref<1000x1000xf32, #tpu.memory_space<vmem_shared>>)
    %add3A_271 = arith.constant 384 : i32
    %add3A_272 = arith.addi %mul3A_2, %add3A_271 : i32
    %dma_start3A_273 = arith.constant 0 : i32
    %dma_start3A_274 = tpu.memref_slice %arg2[%add3A_272, %dma_start3A_273] : memref<16384x1000xf32, #tpu.memory_space<hbm>> -> memref<32x1000xf32, #tpu.memory_space<hbm>>
    %dma_start3A_275 = arith.constant 0 : i32
    %dma_start3A_276 = tpu.memref_slice %arg2[%add3A_272, %dma_start3A_275] : memref<16384x1000xf32, #tpu.memory_space<hbm>> -> memref<32x1000xf32, #tpu.memory_space<hbm>>
    tpu.enqueue_dma source(%dma_start3A_276 : memref<32x1000xf32, #tpu.memory_space<hbm>>) target(%arg7 : memref<32x1000xf32, #tpu.memory_space<vmem>>) target_semaphore(%arg10 : memref<!tpu.dma_semaphore, #tpu.memory_space<semaphore_mem>>)
    %dma_wait3A_277 = arith.constant 0 : i32
    %dma_wait3A_278 = tpu.memref_slice %arg2[%add3A_248, %dma_wait3A_277] : memref<16384x1000xf32, #tpu.memory_space<hbm>> -> memref<32x1000xf32, #tpu.memory_space<hbm>>
    %dma_wait3A_279 = arith.constant 0 : i32
    %dma_wait3A_280 = tpu.memref_slice %arg2[%add3A_248, %dma_wait3A_279] : memref<16384x1000xf32, #tpu.memory_space<hbm>> -> memref<32x1000xf32, #tpu.memory_space<hbm>>
    tpu.wait_dma2 semaphore(%arg11 : memref<!tpu.dma_semaphore, #tpu.memory_space<semaphore_mem>>) src(%dma_wait3A_280 : memref<32x1000xf32, #tpu.memory_space<hbm>>) dst(%arg8 : memref<32x1000xf32, #tpu.memory_space<vmem>>)
    %dma_start3A_281 = arith.constant 11 : i32
    %dma_start3A_282 = arith.constant 0 : i32
    %dma_start3A_283 = tpu.memref_slice %arg6[%dma_start3A_281, %dma_start3A_282] : memref<16x32xi32, #tpu.memory_space<vmem>> -> memref<1x32xi32, #tpu.memory_space<vmem>>
    %dma_start3A_284 = tpu.memref_squeeze %dma_start3A_283 : memref<1x32xi32, #tpu.memory_space<vmem>> -> memref<32xi32, #tpu.memory_space<vmem>>
    %dma_start3A_285 = arith.constant 0 : i32
    %dma_start3A_286 = arith.constant 0 : i32
    %dma_start3A_287 = tpu.memref_slice %arg9[%dma_start3A_285, %dma_start3A_286] : memref<1000x1000xf32, #tpu.memory_space<vmem_shared>> -> memref<1000x1000xf32, #tpu.memory_space<vmem_shared>>
    tpu.enqueue_indirect_dma source(%arg8 : memref<32x1000xf32, #tpu.memory_space<vmem>>) target(%dma_start3A_287 : memref<1000x1000xf32, #tpu.memory_space<vmem_shared>>) offsets(%dma_start3A_284 : memref<32xi32, #tpu.memory_space<vmem>>) semaphore(%arg13 : memref<!tpu.dma_semaphore, #tpu.memory_space<semaphore_mem>>) {add = true}
    %dma_wait3A_288 = arith.constant 11 : i32
    %dma_wait3A_289 = arith.constant 0 : i32
    %dma_wait3A_290 = tpu.memref_slice %arg6[%dma_wait3A_288, %dma_wait3A_289] : memref<16x32xi32, #tpu.memory_space<vmem>> -> memref<1x32xi32, #tpu.memory_space<vmem>>
    %dma_wait3A_291 = tpu.memref_squeeze %dma_wait3A_290 : memref<1x32xi32, #tpu.memory_space<vmem>> -> memref<32xi32, #tpu.memory_space<vmem>>
    %dma_wait3A_292 = arith.constant 0 : i32
    %dma_wait3A_293 = arith.constant 0 : i32
    %dma_wait3A_294 = tpu.memref_slice %arg9[%dma_wait3A_292, %dma_wait3A_293] : memref<1000x1000xf32, #tpu.memory_space<vmem_shared>> -> memref<1000x1000xf32, #tpu.memory_space<vmem_shared>>
    tpu.wait_indirect_dma semaphore(%arg13 : memref<!tpu.dma_semaphore, #tpu.memory_space<semaphore_mem>>) src(%arg8 : memref<32x1000xf32, #tpu.memory_space<vmem>>) dst(%dma_wait3A_294 : memref<1000x1000xf32, #tpu.memory_space<vmem_shared>>)
    %add3A_295 = arith.constant 416 : i32
    %add3A_296 = arith.addi %mul3A_2, %add3A_295 : i32
    %dma_start3A_297 = arith.constant 0 : i32
    %dma_start3A_298 = tpu.memref_slice %arg2[%add3A_296, %dma_start3A_297] : memref<16384x1000xf32, #tpu.memory_space<hbm>> -> memref<32x1000xf32, #tpu.memory_space<hbm>>
    %dma_start3A_299 = arith.constant 0 : i32
    %dma_start3A_300 = tpu.memref_slice %arg2[%add3A_296, %dma_start3A_299] : memref<16384x1000xf32, #tpu.memory_space<hbm>> -> memref<32x1000xf32, #tpu.memory_space<hbm>>
    tpu.enqueue_dma source(%dma_start3A_300 : memref<32x1000xf32, #tpu.memory_space<hbm>>) target(%arg8 : memref<32x1000xf32, #tpu.memory_space<vmem>>) target_semaphore(%arg11 : memref<!tpu.dma_semaphore, #tpu.memory_space<semaphore_mem>>)
    %dma_wait3A_301 = arith.constant 0 : i32
    %dma_wait3A_302 = tpu.memref_slice %arg2[%add3A_272, %dma_wait3A_301] : memref<16384x1000xf32, #tpu.memory_space<hbm>> -> memref<32x1000xf32, #tpu.memory_space<hbm>>
    %dma_wait3A_303 = arith.constant 0 : i32
    %dma_wait3A_304 = tpu.memref_slice %arg2[%add3A_272, %dma_wait3A_303] : memref<16384x1000xf32, #tpu.memory_space<hbm>> -> memref<32x1000xf32, #tpu.memory_space<hbm>>
    tpu.wait_dma2 semaphore(%arg10 : memref<!tpu.dma_semaphore, #tpu.memory_space<semaphore_mem>>) src(%dma_wait3A_304 : memref<32x1000xf32, #tpu.memory_space<hbm>>) dst(%arg7 : memref<32x1000xf32, #tpu.memory_space<vmem>>)
    %dma_start3A_305 = arith.constant 12 : i32
    %dma_start3A_306 = arith.constant 0 : i32
    %dma_start3A_307 = tpu.memref_slice %arg6[%dma_start3A_305, %dma_start3A_306] : memref<16x32xi32, #tpu.memory_space<vmem>> -> memref<1x32xi32, #tpu.memory_space<vmem>>
    %dma_start3A_308 = tpu.memref_squeeze %dma_start3A_307 : memref<1x32xi32, #tpu.memory_space<vmem>> -> memref<32xi32, #tpu.memory_space<vmem>>
    %dma_start3A_309 = arith.constant 0 : i32
    %dma_start3A_310 = arith.constant 0 : i32
    %dma_start3A_311 = tpu.memref_slice %arg9[%dma_start3A_309, %dma_start3A_310] : memref<1000x1000xf32, #tpu.memory_space<vmem_shared>> -> memref<1000x1000xf32, #tpu.memory_space<vmem_shared>>
    tpu.enqueue_indirect_dma source(%arg7 : memref<32x1000xf32, #tpu.memory_space<vmem>>) target(%dma_start3A_311 : memref<1000x1000xf32, #tpu.memory_space<vmem_shared>>) offsets(%dma_start3A_308 : memref<32xi32, #tpu.memory_space<vmem>>) semaphore(%arg12 : memref<!tpu.dma_semaphore, #tpu.memory_space<semaphore_mem>>) {add = true}
    %dma_wait3A_312 = arith.constant 12 : i32
    %dma_wait3A_313 = arith.constant 0 : i32
    %dma_wait3A_314 = tpu.memref_slice %arg6[%dma_wait3A_312, %dma_wait3A_313] : memref<16x32xi32, #tpu.memory_space<vmem>> -> memref<1x32xi32, #tpu.memory_space<vmem>>
    %dma_wait3A_315 = tpu.memref_squeeze %dma_wait3A_314 : memref<1x32xi32, #tpu.memory_space<vmem>> -> memref<32xi32, #tpu.memory_space<vmem>>
    %dma_wait3A_316 = arith.constant 0 : i32
    %dma_wait3A_317 = arith.constant 0 : i32
    %dma_wait3A_318 = tpu.memref_slice %arg9[%dma_wait3A_316, %dma_wait3A_317] : memref<1000x1000xf32, #tpu.memory_space<vmem_shared>> -> memref<1000x1000xf32, #tpu.memory_space<vmem_shared>>
    tpu.wait_indirect_dma semaphore(%arg12 : memref<!tpu.dma_semaphore, #tpu.memory_space<semaphore_mem>>) src(%arg7 : memref<32x1000xf32, #tpu.memory_space<vmem>>) dst(%dma_wait3A_318 : memref<1000x1000xf32, #tpu.memory_space<vmem_shared>>)
    %add3A_319 = arith.constant 448 : i32
    %add3A_320 = arith.addi %mul3A_2, %add3A_319 : i32
    %dma_start3A_321 = arith.constant 0 : i32
    %dma_start3A_322 = tpu.memref_slice %arg2[%add3A_320, %dma_start3A_321] : memref<16384x1000xf32, #tpu.memory_space<hbm>> -> memref<32x1000xf32, #tpu.memory_space<hbm>>
    %dma_start3A_323 = arith.constant 0 : i32
    %dma_start3A_324 = tpu.memref_slice %arg2[%add3A_320, %dma_start3A_323] : memref<16384x1000xf32, #tpu.memory_space<hbm>> -> memref<32x1000xf32, #tpu.memory_space<hbm>>
    tpu.enqueue_dma source(%dma_start3A_324 : memref<32x1000xf32, #tpu.memory_space<hbm>>) target(%arg7 : memref<32x1000xf32, #tpu.memory_space<vmem>>) target_semaphore(%arg10 : memref<!tpu.dma_semaphore, #tpu.memory_space<semaphore_mem>>)
    %dma_wait3A_325 = arith.constant 0 : i32
    %dma_wait3A_326 = tpu.memref_slice %arg2[%add3A_296, %dma_wait3A_325] : memref<16384x1000xf32, #tpu.memory_space<hbm>> -> memref<32x1000xf32, #tpu.memory_space<hbm>>
    %dma_wait3A_327 = arith.constant 0 : i32
    %dma_wait3A_328 = tpu.memref_slice %arg2[%add3A_296, %dma_wait3A_327] : memref<16384x1000xf32, #tpu.memory_space<hbm>> -> memref<32x1000xf32, #tpu.memory_space<hbm>>
    tpu.wait_dma2 semaphore(%arg11 : memref<!tpu.dma_semaphore, #tpu.memory_space<semaphore_mem>>) src(%dma_wait3A_328 : memref<32x1000xf32, #tpu.memory_space<hbm>>) dst(%arg8 : memref<32x1000xf32, #tpu.memory_space<vmem>>)
    %dma_start3A_329 = arith.constant 13 : i32
    %dma_start3A_330 = arith.constant 0 : i32
    %dma_start3A_331 = tpu.memref_slice %arg6[%dma_start3A_329, %dma_start3A_330] : memref<16x32xi32, #tpu.memory_space<vmem>> -> memref<1x32xi32, #tpu.memory_space<vmem>>
    %dma_start3A_332 = tpu.memref_squeeze %dma_start3A_331 : memref<1x32xi32, #tpu.memory_space<vmem>> -> memref<32xi32, #tpu.memory_space<vmem>>
    %dma_start3A_333 = arith.constant 0 : i32
    %dma_start3A_334 = arith.constant 0 : i32
    %dma_start3A_335 = tpu.memref_slice %arg9[%dma_start3A_333, %dma_start3A_334] : memref<1000x1000xf32, #tpu.memory_space<vmem_shared>> -> memref<1000x1000xf32, #tpu.memory_space<vmem_shared>>
    tpu.enqueue_indirect_dma source(%arg8 : memref<32x1000xf32, #tpu.memory_space<vmem>>) target(%dma_start3A_335 : memref<1000x1000xf32, #tpu.memory_space<vmem_shared>>) offsets(%dma_start3A_332 : memref<32xi32, #tpu.memory_space<vmem>>) semaphore(%arg13 : memref<!tpu.dma_semaphore, #tpu.memory_space<semaphore_mem>>) {add = true}
    %dma_wait3A_336 = arith.constant 13 : i32
    %dma_wait3A_337 = arith.constant 0 : i32
    %dma_wait3A_338 = tpu.memref_slice %arg6[%dma_wait3A_336, %dma_wait3A_337] : memref<16x32xi32, #tpu.memory_space<vmem>> -> memref<1x32xi32, #tpu.memory_space<vmem>>
    %dma_wait3A_339 = tpu.memref_squeeze %dma_wait3A_338 : memref<1x32xi32, #tpu.memory_space<vmem>> -> memref<32xi32, #tpu.memory_space<vmem>>
    %dma_wait3A_340 = arith.constant 0 : i32
    %dma_wait3A_341 = arith.constant 0 : i32
    %dma_wait3A_342 = tpu.memref_slice %arg9[%dma_wait3A_340, %dma_wait3A_341] : memref<1000x1000xf32, #tpu.memory_space<vmem_shared>> -> memref<1000x1000xf32, #tpu.memory_space<vmem_shared>>
    tpu.wait_indirect_dma semaphore(%arg13 : memref<!tpu.dma_semaphore, #tpu.memory_space<semaphore_mem>>) src(%arg8 : memref<32x1000xf32, #tpu.memory_space<vmem>>) dst(%dma_wait3A_342 : memref<1000x1000xf32, #tpu.memory_space<vmem_shared>>)
    %add3A_343 = arith.constant 480 : i32
    %add3A_344 = arith.addi %mul3A_2, %add3A_343 : i32
    %dma_start3A_345 = arith.constant 0 : i32
    %dma_start3A_346 = tpu.memref_slice %arg2[%add3A_344, %dma_start3A_345] : memref<16384x1000xf32, #tpu.memory_space<hbm>> -> memref<32x1000xf32, #tpu.memory_space<hbm>>
    %dma_start3A_347 = arith.constant 0 : i32
    %dma_start3A_348 = tpu.memref_slice %arg2[%add3A_344, %dma_start3A_347] : memref<16384x1000xf32, #tpu.memory_space<hbm>> -> memref<32x1000xf32, #tpu.memory_space<hbm>>
    tpu.enqueue_dma source(%dma_start3A_348 : memref<32x1000xf32, #tpu.memory_space<hbm>>) target(%arg8 : memref<32x1000xf32, #tpu.memory_space<vmem>>) target_semaphore(%arg11 : memref<!tpu.dma_semaphore, #tpu.memory_space<semaphore_mem>>)
    %dma_wait3A_349 = arith.constant 0 : i32
    %dma_wait3A_350 = tpu.memref_slice %arg2[%add3A_320, %dma_wait3A_349] : memref<16384x1000xf32, #tpu.memory_space<hbm>> -> memref<32x1000xf32, #tpu.memory_space<hbm>>
    %dma_wait3A_351 = arith.constant 0 : i32
    %dma_wait3A_352 = tpu.memref_slice %arg2[%add3A_320, %dma_wait3A_351] : memref<16384x1000xf32, #tpu.memory_space<hbm>> -> memref<32x1000xf32, #tpu.memory_space<hbm>>
    tpu.wait_dma2 semaphore(%arg10 : memref<!tpu.dma_semaphore, #tpu.memory_space<semaphore_mem>>) src(%dma_wait3A_352 : memref<32x1000xf32, #tpu.memory_space<hbm>>) dst(%arg7 : memref<32x1000xf32, #tpu.memory_space<vmem>>)
    %dma_start3A_353 = arith.constant 14 : i32
    %dma_start3A_354 = arith.constant 0 : i32
    %dma_start3A_355 = tpu.memref_slice %arg6[%dma_start3A_353, %dma_start3A_354] : memref<16x32xi32, #tpu.memory_space<vmem>> -> memref<1x32xi32, #tpu.memory_space<vmem>>
    %dma_start3A_356 = tpu.memref_squeeze %dma_start3A_355 : memref<1x32xi32, #tpu.memory_space<vmem>> -> memref<32xi32, #tpu.memory_space<vmem>>
    %dma_start3A_357 = arith.constant 0 : i32
    %dma_start3A_358 = arith.constant 0 : i32
    %dma_start3A_359 = tpu.memref_slice %arg9[%dma_start3A_357, %dma_start3A_358] : memref<1000x1000xf32, #tpu.memory_space<vmem_shared>> -> memref<1000x1000xf32, #tpu.memory_space<vmem_shared>>
    tpu.enqueue_indirect_dma source(%arg7 : memref<32x1000xf32, #tpu.memory_space<vmem>>) target(%dma_start3A_359 : memref<1000x1000xf32, #tpu.memory_space<vmem_shared>>) offsets(%dma_start3A_356 : memref<32xi32, #tpu.memory_space<vmem>>) semaphore(%arg12 : memref<!tpu.dma_semaphore, #tpu.memory_space<semaphore_mem>>) {add = true}
    %dma_wait3A_360 = arith.constant 0 : i32
    %dma_wait3A_361 = tpu.memref_slice %arg2[%add3A_344, %dma_wait3A_360] : memref<16384x1000xf32, #tpu.memory_space<hbm>> -> memref<32x1000xf32, #tpu.memory_space<hbm>>
    %dma_wait3A_362 = arith.constant 0 : i32
    %dma_wait3A_363 = tpu.memref_slice %arg2[%add3A_344, %dma_wait3A_362] : memref<16384x1000xf32, #tpu.memory_space<hbm>> -> memref<32x1000xf32, #tpu.memory_space<hbm>>
    tpu.wait_dma2 semaphore(%arg11 : memref<!tpu.dma_semaphore, #tpu.memory_space<semaphore_mem>>) src(%dma_wait3A_363 : memref<32x1000xf32, #tpu.memory_space<hbm>>) dst(%arg8 : memref<32x1000xf32, #tpu.memory_space<vmem>>)
    %dma_start3A_364 = arith.constant 15 : i32
    %dma_start3A_365 = arith.constant 0 : i32
    %dma_start3A_366 = tpu.memref_slice %arg6[%dma_start3A_364, %dma_start3A_365] : memref<16x32xi32, #tpu.memory_space<vmem>> -> memref<1x32xi32, #tpu.memory_space<vmem>>
    %dma_start3A_367 = tpu.memref_squeeze %dma_start3A_366 : memref<1x32xi32, #tpu.memory_space<vmem>> -> memref<32xi32, #tpu.memory_space<vmem>>
    %dma_start3A_368 = arith.constant 0 : i32
    %dma_start3A_369 = arith.constant 0 : i32
    %dma_start3A_370 = tpu.memref_slice %arg9[%dma_start3A_368, %dma_start3A_369] : memref<1000x1000xf32, #tpu.memory_space<vmem_shared>> -> memref<1000x1000xf32, #tpu.memory_space<vmem_shared>>
    tpu.enqueue_indirect_dma source(%arg8 : memref<32x1000xf32, #tpu.memory_space<vmem>>) target(%dma_start3A_370 : memref<1000x1000xf32, #tpu.memory_space<vmem_shared>>) offsets(%dma_start3A_367 : memref<32xi32, #tpu.memory_space<vmem>>) semaphore(%arg13 : memref<!tpu.dma_semaphore, #tpu.memory_space<semaphore_mem>>) {add = true}
    %dma_wait3A_371 = arith.constant 14 : i32
    %dma_wait3A_372 = arith.constant 0 : i32
    %dma_wait3A_373 = tpu.memref_slice %arg6[%dma_wait3A_371, %dma_wait3A_372] : memref<16x32xi32, #tpu.memory_space<vmem>> -> memref<1x32xi32, #tpu.memory_space<vmem>>
    %dma_wait3A_374 = tpu.memref_squeeze %dma_wait3A_373 : memref<1x32xi32, #tpu.memory_space<vmem>> -> memref<32xi32, #tpu.memory_space<vmem>>
    %dma_wait3A_375 = arith.constant 0 : i32
    %dma_wait3A_376 = arith.constant 0 : i32
    %dma_wait3A_377 = tpu.memref_slice %arg9[%dma_wait3A_375, %dma_wait3A_376] : memref<1000x1000xf32, #tpu.memory_space<vmem_shared>> -> memref<1000x1000xf32, #tpu.memory_space<vmem_shared>>
    tpu.wait_indirect_dma semaphore(%arg12 : memref<!tpu.dma_semaphore, #tpu.memory_space<semaphore_mem>>) src(%arg7 : memref<32x1000xf32, #tpu.memory_space<vmem>>) dst(%dma_wait3A_377 : memref<1000x1000xf32, #tpu.memory_space<vmem_shared>>)
    %dma_wait3A_378 = arith.constant 15 : i32
    %dma_wait3A_379 = arith.constant 0 : i32
    %dma_wait3A_380 = tpu.memref_slice %arg6[%dma_wait3A_378, %dma_wait3A_379] : memref<16x32xi32, #tpu.memory_space<vmem>> -> memref<1x32xi32, #tpu.memory_space<vmem>>
    %dma_wait3A_381 = tpu.memref_squeeze %dma_wait3A_380 : memref<1x32xi32, #tpu.memory_space<vmem>> -> memref<32xi32, #tpu.memory_space<vmem>>
    %dma_wait3A_382 = arith.constant 0 : i32
    %dma_wait3A_383 = arith.constant 0 : i32
    %dma_wait3A_384 = tpu.memref_slice %arg9[%dma_wait3A_382, %dma_wait3A_383] : memref<1000x1000xf32, #tpu.memory_space<vmem_shared>> -> memref<1000x1000xf32, #tpu.memory_space<vmem_shared>>
    tpu.wait_indirect_dma semaphore(%arg13 : memref<!tpu.dma_semaphore, #tpu.memory_space<semaphore_mem>>) src(%arg8 : memref<32x1000xf32, #tpu.memory_space<vmem>>) dst(%dma_wait3A_384 : memref<1000x1000xf32, #tpu.memory_space<vmem_shared>>)
    %barrier3A_385 = arith.constant 0 : index
    tpu.barrier barrier_id(%barrier3A_385)
    %eq3A_386 = arith.constant 0 : i32
    %eq3A_387 = arith.cmpi eq, %arg1, %eq3A_386 : i32
    %convert_element_type3A_388 = arith.extui %eq3A_387 : i1 to i32
    %cond3A_389 = arith.constant 0 : i32
    %cond3A_390 = arith.cmpi ne, %convert_element_type3A_388, %cond3A_389 : i32
    scf.if %cond3A_390 {
      "tpu.region"() ({
        %run_scoped3A = tpu.sem_alloc : memref<!tpu.dma_semaphore, #tpu.memory_space<semaphore_mem>>
        %dma_start3A_391 = arith.constant 0 : i32
        %dma_start3A_392 = arith.constant 0 : i32
        %dma_start3A_393 = tpu.memref_slice %arg5[%arg0, %dma_start3A_391, %dma_start3A_392] : memref<2x1000x1000xf32, #tpu.memory_space<hbm>> -> memref<1x1000x1000xf32, #tpu.memory_space<hbm>>
        %dma_start3A_394 = tpu.memref_squeeze %dma_start3A_393 : memref<1x1000x1000xf32, #tpu.memory_space<hbm>> -> memref<1000x1000xf32, #tpu.memory_space<hbm>>
        tpu.enqueue_dma source(%arg9 : memref<1000x1000xf32, #tpu.memory_space<vmem_shared>>) target(%dma_start3A_394 : memref<1000x1000xf32, #tpu.memory_space<hbm>>) target_semaphore(%run_scoped3A : memref<!tpu.dma_semaphore, #tpu.memory_space<semaphore_mem>>)
        %dma_wait3A_395 = arith.constant 0 : i32
        %dma_wait3A_396 = arith.constant 0 : i32
        %dma_wait3A_397 = tpu.memref_slice %arg5[%arg0, %dma_wait3A_395, %dma_wait3A_396] : memref<2x1000x1000xf32, #tpu.memory_space<hbm>> -> memref<1x1000x1000xf32, #tpu.memory_space<hbm>>
        %dma_wait3A_398 = tpu.memref_squeeze %dma_wait3A_397 : memref<1x1000x1000xf32, #tpu.memory_space<hbm>> -> memref<1000x1000xf32, #tpu.memory_space<hbm>>
        tpu.wait_dma2 semaphore(%run_scoped3A : memref<!tpu.dma_semaphore, #tpu.memory_space<semaphore_mem>>) src(%arg9 : memref<1000x1000xf32, #tpu.memory_space<vmem_shared>>) dst(%dma_wait3A_398 : memref<1000x1000xf32, #tpu.memory_space<hbm>>)
        tpu.yield
      }) : () -> ()
    } else {
    }
    return
  }
}

module attributes {stable_mosaic.version = 14 : i64} {
  func.func @_ols_tc(%arg0: i32, %arg1: memref<1x1024x1xi32, #tpu.memory_space<vmem>>, %arg2: memref<1x1x1024xi32, #tpu.memory_space<vmem>>, %arg3: memref<1024x1000xf32, #tpu.memory_space<vmem>>, %arg4: memref<1000x1000xf32, #tpu.memory_space<vmem>>, %arg5: memref<1000x1xf32, #tpu.memory_space<vmem>>, %arg6: memref<1000x1xf32, #tpu.memory_space<vmem>>, %arg7: memref<1000x1000xf32, #tpu.memory_space<vmem>>, %arg8: memref<1000x1xf32, #tpu.memory_space<vmem>>, %arg9: memref<1000x3xf32, #tpu.memory_space<vmem>>) attributes {dimension_semantics = [#tpu.dimension_semantics<arbitrary>], iteration_bounds = array<i64: 16>, scalar_prefetch = 0 : i64, scratch_operands = 1 : i64, tpu.core_type = #tpu.core_type<tc>, window_params = [{transform_indices = @transform_0, window_bounds = array<i64: 1, 1024, 1>}, {transform_indices = @transform_1, window_bounds = array<i64: 1, 1, 1024>}, {transform_indices = @transform_2, window_bounds = array<i64: 1024, 1000>}, {pipeline_mode = #tpu.pipeline_mode<synchronous>, transform_indices = @transform_3, window_bounds = array<i64: 1000, 1000>}, {pipeline_mode = #tpu.pipeline_mode<synchronous>, transform_indices = @transform_4, window_bounds = array<i64: 1000, 1>}, {pipeline_mode = #tpu.pipeline_mode<synchronous>, transform_indices = @transform_5, window_bounds = array<i64: 1000, 1>}, {pipeline_mode = #tpu.pipeline_mode<synchronous>, transform_indices = @transform_6, window_bounds = array<i64: 1000, 1000>}, {pipeline_mode = #tpu.pipeline_mode<synchronous>, transform_indices = @transform_7, window_bounds = array<i64: 1000, 1>}]} {
    %get3A = arith.constant 0 : index
    %get3A_0 = arith.constant 0 : index
    %get3A_1 = arith.constant 0 : index
    %get3A_2 = vector.load %arg1[%get3A, %get3A_0, %get3A_1] : memref<1x1024x1xi32, #tpu.memory_space<vmem>>, vector<1x1024x1xi32>
    %get3A_3 = vector.shape_cast %get3A_2 : vector<1x1024x1xi32> to vector<1024x1xi32>
    %get3A_4 = arith.constant 0 : index
    %get3A_5 = arith.constant 0 : index
    %get3A_6 = arith.constant 0 : index
    %get3A_7 = vector.load %arg2[%get3A_4, %get3A_5, %get3A_6] : memref<1x1x1024xi32, #tpu.memory_space<vmem>>, vector<1x1x1024xi32>
    %get3A_8 = vector.shape_cast %get3A_7 : vector<1x1x1024xi32> to vector<1x1024xi32>
    %get3A_9 = arith.constant 0 : index
    %get3A_10 = arith.constant 0 : index
    %get3A_11 = vector.load %arg3[%get3A_9, %get3A_10] : memref<1024x1000xf32, #tpu.memory_space<vmem>>, vector<1024x1000xf32>
    %argmax3A = tpu.reduce_index %get3A_11 {axis = 1 : i32, kind = #tpu.reduction_kind<arg_max>} : vector<1024x1000xf32> -> vector<1024xi32>
    %broadcast_in_dim3A = vector.shape_cast %argmax3A : vector<1024xi32> to vector<1024x1xi32>
    %exp3A = math.exp %get3A_11 : vector<1024x1000xf32>
    %reduce_sum3A = arith.constant dense<0.000000e+00> : vector<1024xf32>
    %reduce_sum3A_12 = vector.multi_reduction <add>, %exp3A, %reduce_sum3A [1] : vector<1024x1000xf32> to vector<1024xf32>
    %broadcast_in_dim3A_13 = vector.shape_cast %reduce_sum3A_12 : vector<1024xf32> to vector<1024x1xf32>
    %log3A = math.log %broadcast_in_dim3A_13 : vector<1024x1xf32>
    %eq3A = arith.cmpi eq, %broadcast_in_dim3A, %get3A_3 : vector<1024x1xi32>
    %convert_element_type3A = arith.extui %eq3A : vector<1024x1xi1> to vector<1024x1xi32>
    %convert_element_type3A_14 = arith.sitofp %convert_element_type3A : vector<1024x1xi32> to vector<1024x1xf32>
    %iota3A = tpu.iota {dimensions = array<i32: 0>} : vector<1000x1024xi32>
    %eq3A_15 = vector.broadcast %get3A_8 : vector<1x1024xi32> to vector<1000x1024xi32>
    %eq3A_16 = arith.cmpi eq, %iota3A, %eq3A_15 : vector<1000x1024xi32>
    %convert_element_type3A_17 = arith.extui %eq3A_16 : vector<1000x1024xi1> to vector<1000x1024xi32>
    %convert_element_type3A_18 = arith.sitofp %convert_element_type3A_17 : vector<1000x1024xi32> to vector<1000x1024xf32>
    %convert_element_type3A_19 = arith.truncf %convert_element_type3A_18 : vector<1000x1024xf32> to vector<1000x1024xbf16>
    %convert_element_type3A_20 = arith.truncf %log3A : vector<1024x1xf32> to vector<1024x1xbf16>
    %convert_element_type3A_21 = arith.extf %convert_element_type3A_20 : vector<1024x1xbf16> to vector<1024x1xf32>
    %sub3A = arith.subf %log3A, %convert_element_type3A_21 : vector<1024x1xf32>
    %convert_element_type3A_22 = arith.truncf %sub3A : vector<1024x1xf32> to vector<1024x1xbf16>
    %convert_element_type3A_23 = arith.truncf %convert_element_type3A_14 : vector<1024x1xf32> to vector<1024x1xbf16>
    %concatenate3A = tpu.concatenate %convert_element_type3A_23, %convert_element_type3A_20, %convert_element_type3A_22 in 1 : vector<1024x1xbf16>, vector<1024x1xbf16>, vector<1024x1xbf16> -> vector<1024x3xbf16>
    %dot_general3A = arith.constant dense<0.000000e+00> : vector<1000x3xf32>
    %dot_general3A_24 = tpu.matmul %convert_element_type3A_19, %concatenate3A, %dot_general3A {dimension_numbers = #tpu.dot_dimension_numbers<[1], [0], [0], [1], [0, 0, 1, 1], [], []>, transpose_lhs_hint = false} : vector<1000x1024xbf16>, vector<1024x3xbf16>, vector<1000x3xf32> -> vector<1000x3xf32>
    %eq3A_25 = arith.constant 0 : i32
    %eq3A_26 = arith.cmpi eq, %arg0, %eq3A_25 : i32
    %convert_element_type3A_27 = arith.extui %eq3A_26 : i1 to i32
    %cond3A = arith.constant 0 : i32
    %cond3A_28 = arith.cmpi ne, %convert_element_type3A_27, %cond3A : i32
    scf.if %cond3A_28 {
      %swap3A = arith.constant 0 : index
      %swap3A_81 = arith.constant 0 : index
      %swap3A_82 = vector.load %arg9[%swap3A, %swap3A_81] : memref<1000x3xf32, #tpu.memory_space<vmem>>, vector<1000x3xf32>
      tpu.vector_store %arg9[%swap3A, %swap3A_81], %dot_general3A_24 {strides = array<i32>} : memref<1000x3xf32, #tpu.memory_space<vmem>>, vector<1000x3xf32>,
      %get3A_83 = arith.constant 0 : index
      %get3A_84 = arith.constant 0 : index
      %get3A_85 = vector.load %arg4[%get3A_83, %get3A_84] : memref<1000x1000xf32, #tpu.memory_space<vmem>>, vector<1000x1000xf32>
      %swap3A_86 = arith.constant 0 : index
      %swap3A_87 = arith.constant 0 : index
      %swap3A_88 = vector.load %arg7[%swap3A_86, %swap3A_87] : memref<1000x1000xf32, #tpu.memory_space<vmem>>, vector<1000x1000xf32>
      tpu.vector_store %arg7[%swap3A_86, %swap3A_87], %get3A_85 {strides = array<i32>} : memref<1000x1000xf32, #tpu.memory_space<vmem>>, vector<1000x1000xf32>,
    } else {
    }
    %gt3A = arith.constant 0 : i32
    %gt3A_29 = arith.cmpi sgt, %arg0, %gt3A : i32
    %convert_element_type3A_30 = arith.extui %gt3A_29 : i1 to i32
    %cond3A_31 = arith.constant 0 : i32
    %cond3A_32 = arith.cmpi ne, %convert_element_type3A_30, %cond3A_31 : i32
    scf.if %cond3A_32 {
      %get3A_81 = arith.constant 0 : index
      %get3A_82 = arith.constant 0 : index
      %get3A_83 = vector.load %arg9[%get3A_81, %get3A_82] : memref<1000x3xf32, #tpu.memory_space<vmem>>, vector<1000x3xf32>
      %add3A = arith.addf %get3A_83, %dot_general3A_24 : vector<1000x3xf32>
      %swap3A = arith.constant 0 : index
      %swap3A_84 = arith.constant 0 : index
      %swap3A_85 = vector.load %arg9[%swap3A, %swap3A_84] : memref<1000x3xf32, #tpu.memory_space<vmem>>, vector<1000x3xf32>
      tpu.vector_store %arg9[%swap3A, %swap3A_84], %add3A {strides = array<i32>} : memref<1000x3xf32, #tpu.memory_space<vmem>>, vector<1000x3xf32>,
    } else {
    }
    %div3A = arith.divf %convert_element_type3A_14, %broadcast_in_dim3A_13 : vector<1024x1xf32>
    %slice3A = vector.extract_strided_slice %convert_element_type3A_14 {offsets = [0, 0], sizes = [256, 1], strides = [1, 1]} : vector<1024x1xf32> to vector<256x1xf32>
    %reduce_sum3A_33 = vector.shape_cast %slice3A : vector<256x1xf32> to vector<1x256x1xf32>
    %reduce_sum3A_34 = arith.constant dense<0.000000e+00> : vector<1xf32>
    %reduce_sum3A_35 = vector.multi_reduction <add>, %reduce_sum3A_33, %reduce_sum3A_34 [1, 2] : vector<1x256x1xf32> to vector<1xf32>
    %reduce_sum3A_36 = vector.shape_cast %reduce_sum3A_35 : vector<1xf32> to vector<1x1x1xf32>
    %reduce_sum3A_37 = vector.extract %reduce_sum3A_36[0, 0, 0] : f32 from vector<1x1x1xf32>
    %gt3A_38 = arith.constant 0.000000e+00 : f32
    %gt3A_39 = arith.cmpf ogt, %reduce_sum3A_37, %gt3A_38 : f32
    %convert_element_type3A_40 = arith.extui %gt3A_39 : i1 to i32
    %cond3A_41 = arith.constant 0 : i32
    %cond3A_42 = arith.cmpi ne, %convert_element_type3A_40, %cond3A_41 : i32
    scf.if %cond3A_42 {
      %slice3A_81 = vector.extract_strided_slice %exp3A {offsets = [0, 0], sizes = [256, 1000], strides = [1, 1]} : vector<1024x1000xf32> to vector<256x1000xf32>
      %slice3A_82 = vector.extract_strided_slice %div3A {offsets = [0, 0], sizes = [256, 1], strides = [1, 1]} : vector<1024x1xf32> to vector<256x1xf32>
      %mul3A = vector.broadcast %slice3A_82 : vector<256x1xf32> to vector<256x1000xf32>
      %mul3A_83 = arith.mulf %slice3A_81, %mul3A : vector<256x1000xf32>
      %convert_element_type3A_84 = arith.truncf %mul3A_83 : vector<256x1000xf32> to vector<256x1000xbf16>
      %slice3A_85 = vector.extract_strided_slice %convert_element_type3A_19 {offsets = [0, 0], sizes = [1000, 256], strides = [1, 1]} : vector<1000x1024xbf16> to vector<1000x256xbf16>
      %dot_general3A_86 = arith.constant dense<0.000000e+00> : vector<1000x1000xf32>
      %dot_general3A_87 = tpu.matmul %slice3A_85, %convert_element_type3A_84, %dot_general3A_86 {dimension_numbers = #tpu.dot_dimension_numbers<[1], [0], [0], [1], [0, 0, 1, 1], [], []>, transpose_lhs_hint = false} : vector<1000x256xbf16>, vector<256x1000xbf16>, vector<1000x1000xf32> -> vector<1000x1000xf32>
      %get3A_88 = arith.constant 0 : index
      %get3A_89 = arith.constant 0 : index
      %get3A_90 = vector.load %arg7[%get3A_88, %get3A_89] : memref<1000x1000xf32, #tpu.memory_space<vmem>>, vector<1000x1000xf32>
      %add3A = arith.addf %get3A_90, %dot_general3A_87 : vector<1000x1000xf32>
      %swap3A = arith.constant 0 : index
      %swap3A_91 = arith.constant 0 : index
      %swap3A_92 = vector.load %arg7[%swap3A, %swap3A_91] : memref<1000x1000xf32, #tpu.memory_space<vmem>>, vector<1000x1000xf32>
      tpu.vector_store %arg7[%swap3A, %swap3A_91], %add3A {strides = array<i32>} : memref<1000x1000xf32, #tpu.memory_space<vmem>>, vector<1000x1000xf32>,
    } else {
    }
    %slice3A_43 = vector.extract_strided_slice %convert_element_type3A_14 {offsets = [256, 0], sizes = [256, 1], strides = [1, 1]} : vector<1024x1xf32> to vector<256x1xf32>
    %reduce_sum3A_44 = vector.shape_cast %slice3A_43 : vector<256x1xf32> to vector<1x256x1xf32>
    %reduce_sum3A_45 = arith.constant dense<0.000000e+00> : vector<1xf32>
    %reduce_sum3A_46 = vector.multi_reduction <add>, %reduce_sum3A_44, %reduce_sum3A_45 [1, 2] : vector<1x256x1xf32> to vector<1xf32>
    %reduce_sum3A_47 = vector.shape_cast %reduce_sum3A_46 : vector<1xf32> to vector<1x1x1xf32>
    %reduce_sum3A_48 = vector.extract %reduce_sum3A_47[0, 0, 0] : f32 from vector<1x1x1xf32>
    %gt3A_49 = arith.constant 0.000000e+00 : f32
    %gt3A_50 = arith.cmpf ogt, %reduce_sum3A_48, %gt3A_49 : f32
    %convert_element_type3A_51 = arith.extui %gt3A_50 : i1 to i32
    %cond3A_52 = arith.constant 0 : i32
    %cond3A_53 = arith.cmpi ne, %convert_element_type3A_51, %cond3A_52 : i32
    scf.if %cond3A_53 {
      %slice3A_81 = vector.extract_strided_slice %exp3A {offsets = [256, 0], sizes = [256, 1000], strides = [1, 1]} : vector<1024x1000xf32> to vector<256x1000xf32>
      %slice3A_82 = vector.extract_strided_slice %div3A {offsets = [256, 0], sizes = [256, 1], strides = [1, 1]} : vector<1024x1xf32> to vector<256x1xf32>
      %mul3A = vector.broadcast %slice3A_82 : vector<256x1xf32> to vector<256x1000xf32>
      %mul3A_83 = arith.mulf %slice3A_81, %mul3A : vector<256x1000xf32>
      %convert_element_type3A_84 = arith.truncf %mul3A_83 : vector<256x1000xf32> to vector<256x1000xbf16>
      %slice3A_85 = vector.extract_strided_slice %convert_element_type3A_19 {offsets = [0, 256], sizes = [1000, 256], strides = [1, 1]} : vector<1000x1024xbf16> to vector<1000x256xbf16>
      %dot_general3A_86 = arith.constant dense<0.000000e+00> : vector<1000x1000xf32>
      %dot_general3A_87 = tpu.matmul %slice3A_85, %convert_element_type3A_84, %dot_general3A_86 {dimension_numbers = #tpu.dot_dimension_numbers<[1], [0], [0], [1], [0, 0, 1, 1], [], []>, transpose_lhs_hint = false} : vector<1000x256xbf16>, vector<256x1000xbf16>, vector<1000x1000xf32> -> vector<1000x1000xf32>
      %get3A_88 = arith.constant 0 : index
      %get3A_89 = arith.constant 0 : index
      %get3A_90 = vector.load %arg7[%get3A_88, %get3A_89] : memref<1000x1000xf32, #tpu.memory_space<vmem>>, vector<1000x1000xf32>
      %add3A = arith.addf %get3A_90, %dot_general3A_87 : vector<1000x1000xf32>
      %swap3A = arith.constant 0 : index
      %swap3A_91 = arith.constant 0 : index
      %swap3A_92 = vector.load %arg7[%swap3A, %swap3A_91] : memref<1000x1000xf32, #tpu.memory_space<vmem>>, vector<1000x1000xf32>
      tpu.vector_store %arg7[%swap3A, %swap3A_91], %add3A {strides = array<i32>} : memref<1000x1000xf32, #tpu.memory_space<vmem>>, vector<1000x1000xf32>,
    } else {
    }
    %slice3A_54 = vector.extract_strided_slice %convert_element_type3A_14 {offsets = [512, 0], sizes = [256, 1], strides = [1, 1]} : vector<1024x1xf32> to vector<256x1xf32>
    %reduce_sum3A_55 = vector.shape_cast %slice3A_54 : vector<256x1xf32> to vector<1x256x1xf32>
    %reduce_sum3A_56 = arith.constant dense<0.000000e+00> : vector<1xf32>
    %reduce_sum3A_57 = vector.multi_reduction <add>, %reduce_sum3A_55, %reduce_sum3A_56 [1, 2] : vector<1x256x1xf32> to vector<1xf32>
    %reduce_sum3A_58 = vector.shape_cast %reduce_sum3A_57 : vector<1xf32> to vector<1x1x1xf32>
    %reduce_sum3A_59 = vector.extract %reduce_sum3A_58[0, 0, 0] : f32 from vector<1x1x1xf32>
    %gt3A_60 = arith.constant 0.000000e+00 : f32
    %gt3A_61 = arith.cmpf ogt, %reduce_sum3A_59, %gt3A_60 : f32
    %convert_element_type3A_62 = arith.extui %gt3A_61 : i1 to i32
    %cond3A_63 = arith.constant 0 : i32
    %cond3A_64 = arith.cmpi ne, %convert_element_type3A_62, %cond3A_63 : i32
    scf.if %cond3A_64 {
      %slice3A_81 = vector.extract_strided_slice %exp3A {offsets = [512, 0], sizes = [256, 1000], strides = [1, 1]} : vector<1024x1000xf32> to vector<256x1000xf32>
      %slice3A_82 = vector.extract_strided_slice %div3A {offsets = [512, 0], sizes = [256, 1], strides = [1, 1]} : vector<1024x1xf32> to vector<256x1xf32>
      %mul3A = vector.broadcast %slice3A_82 : vector<256x1xf32> to vector<256x1000xf32>
      %mul3A_83 = arith.mulf %slice3A_81, %mul3A : vector<256x1000xf32>
      %convert_element_type3A_84 = arith.truncf %mul3A_83 : vector<256x1000xf32> to vector<256x1000xbf16>
      %slice3A_85 = vector.extract_strided_slice %convert_element_type3A_19 {offsets = [0, 512], sizes = [1000, 256], strides = [1, 1]} : vector<1000x1024xbf16> to vector<1000x256xbf16>
      %dot_general3A_86 = arith.constant dense<0.000000e+00> : vector<1000x1000xf32>
      %dot_general3A_87 = tpu.matmul %slice3A_85, %convert_element_type3A_84, %dot_general3A_86 {dimension_numbers = #tpu.dot_dimension_numbers<[1], [0], [0], [1], [0, 0, 1, 1], [], []>, transpose_lhs_hint = false} : vector<1000x256xbf16>, vector<256x1000xbf16>, vector<1000x1000xf32> -> vector<1000x1000xf32>
      %get3A_88 = arith.constant 0 : index
      %get3A_89 = arith.constant 0 : index
      %get3A_90 = vector.load %arg7[%get3A_88, %get3A_89] : memref<1000x1000xf32, #tpu.memory_space<vmem>>, vector<1000x1000xf32>
      %add3A = arith.addf %get3A_90, %dot_general3A_87 : vector<1000x1000xf32>
      %swap3A = arith.constant 0 : index
      %swap3A_91 = arith.constant 0 : index
      %swap3A_92 = vector.load %arg7[%swap3A, %swap3A_91] : memref<1000x1000xf32, #tpu.memory_space<vmem>>, vector<1000x1000xf32>
      tpu.vector_store %arg7[%swap3A, %swap3A_91], %add3A {strides = array<i32>} : memref<1000x1000xf32, #tpu.memory_space<vmem>>, vector<1000x1000xf32>,
    } else {
    }
    %slice3A_65 = vector.extract_strided_slice %convert_element_type3A_14 {offsets = [768, 0], sizes = [256, 1], strides = [1, 1]} : vector<1024x1xf32> to vector<256x1xf32>
    %reduce_sum3A_66 = vector.shape_cast %slice3A_65 : vector<256x1xf32> to vector<1x256x1xf32>
    %reduce_sum3A_67 = arith.constant dense<0.000000e+00> : vector<1xf32>
    %reduce_sum3A_68 = vector.multi_reduction <add>, %reduce_sum3A_66, %reduce_sum3A_67 [1, 2] : vector<1x256x1xf32> to vector<1xf32>
    %reduce_sum3A_69 = vector.shape_cast %reduce_sum3A_68 : vector<1xf32> to vector<1x1x1xf32>
    %reduce_sum3A_70 = vector.extract %reduce_sum3A_69[0, 0, 0] : f32 from vector<1x1x1xf32>
    %gt3A_71 = arith.constant 0.000000e+00 : f32
    %gt3A_72 = arith.cmpf ogt, %reduce_sum3A_70, %gt3A_71 : f32
    %convert_element_type3A_73 = arith.extui %gt3A_72 : i1 to i32
    %cond3A_74 = arith.constant 0 : i32
    %cond3A_75 = arith.cmpi ne, %convert_element_type3A_73, %cond3A_74 : i32
    scf.if %cond3A_75 {
      %slice3A_81 = vector.extract_strided_slice %exp3A {offsets = [768, 0], sizes = [256, 1000], strides = [1, 1]} : vector<1024x1000xf32> to vector<256x1000xf32>
      %slice3A_82 = vector.extract_strided_slice %div3A {offsets = [768, 0], sizes = [256, 1], strides = [1, 1]} : vector<1024x1xf32> to vector<256x1xf32>
      %mul3A = vector.broadcast %slice3A_82 : vector<256x1xf32> to vector<256x1000xf32>
      %mul3A_83 = arith.mulf %slice3A_81, %mul3A : vector<256x1000xf32>
      %convert_element_type3A_84 = arith.truncf %mul3A_83 : vector<256x1000xf32> to vector<256x1000xbf16>
      %slice3A_85 = vector.extract_strided_slice %convert_element_type3A_19 {offsets = [0, 768], sizes = [1000, 256], strides = [1, 1]} : vector<1000x1024xbf16> to vector<1000x256xbf16>
      %dot_general3A_86 = arith.constant dense<0.000000e+00> : vector<1000x1000xf32>
      %dot_general3A_87 = tpu.matmul %slice3A_85, %convert_element_type3A_84, %dot_general3A_86 {dimension_numbers = #tpu.dot_dimension_numbers<[1], [0], [0], [1], [0, 0, 1, 1], [], []>, transpose_lhs_hint = false} : vector<1000x256xbf16>, vector<256x1000xbf16>, vector<1000x1000xf32> -> vector<1000x1000xf32>
      %get3A_88 = arith.constant 0 : index
      %get3A_89 = arith.constant 0 : index
      %get3A_90 = vector.load %arg7[%get3A_88, %get3A_89] : memref<1000x1000xf32, #tpu.memory_space<vmem>>, vector<1000x1000xf32>
      %add3A = arith.addf %get3A_90, %dot_general3A_87 : vector<1000x1000xf32>
      %swap3A = arith.constant 0 : index
      %swap3A_91 = arith.constant 0 : index
      %swap3A_92 = vector.load %arg7[%swap3A, %swap3A_91] : memref<1000x1000xf32, #tpu.memory_space<vmem>>, vector<1000x1000xf32>
      tpu.vector_store %arg7[%swap3A, %swap3A_91], %add3A {strides = array<i32>} : memref<1000x1000xf32, #tpu.memory_space<vmem>>, vector<1000x1000xf32>,
    } else {
    }
    %eq3A_76 = arith.constant 15 : i32
    %eq3A_77 = arith.cmpi eq, %arg0, %eq3A_76 : i32
    %convert_element_type3A_78 = arith.extui %eq3A_77 : i1 to i32
    %cond3A_79 = arith.constant 0 : i32
    %cond3A_80 = arith.cmpi ne, %convert_element_type3A_78, %cond3A_79 : i32
    scf.if %cond3A_80 {
      %get3A_81 = arith.constant 0 : index
      %get3A_82 = arith.constant 0 : index
      %get3A_83 = vector.load %arg5[%get3A_81, %get3A_82] : memref<1000x1xf32, #tpu.memory_space<vmem>>, vector<1000x1xf32>
      %get3A_84 = arith.constant 0 : index
      %get3A_85 = arith.constant 0 : index
      %get3A_86 = vector.load %arg9[%get3A_84, %get3A_85] : memref<1000x3xf32, #tpu.memory_space<vmem>>, vector<1000x1xf32>
      %add3A = arith.addf %get3A_83, %get3A_86 : vector<1000x1xf32>
      %swap3A = arith.constant 0 : index
      %swap3A_87 = arith.constant 0 : index
      %swap3A_88 = vector.load %arg8[%swap3A, %swap3A_87] : memref<1000x1xf32, #tpu.memory_space<vmem>>, vector<1000x1xf32>
      tpu.vector_store %arg8[%swap3A, %swap3A_87], %add3A {strides = array<i32>} : memref<1000x1xf32, #tpu.memory_space<vmem>>, vector<1000x1xf32>,
      %get3A_89 = arith.constant 0 : index
      %get3A_90 = arith.constant 1 : index
      %get3A_91 = vector.load %arg9[%get3A_89, %get3A_90] : memref<1000x3xf32, #tpu.memory_space<vmem>>, vector<1000x1xf32>
      %get3A_92 = arith.constant 0 : index
      %get3A_93 = arith.constant 2 : index
      %get3A_94 = vector.load %arg9[%get3A_92, %get3A_93] : memref<1000x3xf32, #tpu.memory_space<vmem>>, vector<1000x1xf32>
      %add3A_95 = arith.addf %get3A_91, %get3A_94 : vector<1000x1xf32>
      %swap3A_96 = arith.constant 0 : index
      %swap3A_97 = arith.constant 0 : index
      %swap3A_98 = vector.load %arg6[%swap3A_96, %swap3A_97] : memref<1000x1xf32, #tpu.memory_space<vmem>>, vector<1000x1xf32>
      tpu.vector_store %arg6[%swap3A_96, %swap3A_97], %add3A_95 {strides = array<i32>} : memref<1000x1xf32, #tpu.memory_space<vmem>>, vector<1000x1xf32>,
    } else {
    }
    return
  }
  func.func @transform_0(%arg0: i32) -> (i32, i32, i32) {
    %c0_i32 = arith.constant 0 : i32
    %c0_i32_0 = arith.constant 0 : i32
    %c0_i32_1 = arith.constant 0 : i32
    return %arg0, %c0_i32, %c0_i32_0 : i32, i32, i32
  }
  func.func @transform_1(%arg0: i32) -> (i32, i32, i32) {
    %c0_i32 = arith.constant 0 : i32
    %c0_i32_0 = arith.constant 0 : i32
    %c0_i32_1 = arith.constant 0 : i32
    return %arg0, %c0_i32, %c0_i32_0 : i32, i32, i32
  }
  func.func @transform_2(%arg0: i32) -> (i32, i32) {
    %c0_i32 = arith.constant 0 : i32
    %c0_i32_0 = arith.constant 0 : i32
    return %arg0, %c0_i32 : i32, i32
  }
  func.func @transform_3(%arg0: i32) -> (i32, i32) {
    %c0_i32 = arith.constant 0 : i32
    %c0_i32_0 = arith.constant 0 : i32
    %c0_i32_1 = arith.constant 0 : i32
    return %c0_i32, %c0_i32_0 : i32, i32
  }
  func.func @transform_4(%arg0: i32) -> (i32, i32) {
    %c0_i32 = arith.constant 0 : i32
    %c0_i32_0 = arith.constant 0 : i32
    %c0_i32_1 = arith.constant 0 : i32
    return %c0_i32, %c0_i32_0 : i32, i32
  }
  func.func @transform_5(%arg0: i32) -> (i32, i32) {
    %c0_i32 = arith.constant 0 : i32
    %c0_i32_0 = arith.constant 0 : i32
    %c0_i32_1 = arith.constant 0 : i32
    return %c0_i32, %c0_i32_0 : i32, i32
  }
  func.func @transform_6(%arg0: i32) -> (i32, i32) {
    %c0_i32 = arith.constant 0 : i32
    %c0_i32_0 = arith.constant 0 : i32
    %c0_i32_1 = arith.constant 0 : i32
    return %c0_i32, %c0_i32_0 : i32, i32
  }
  func.func @transform_7(%arg0: i32) -> (i32, i32) {
    %c0_i32 = arith.constant 0 : i32
    %c0_i32_0 = arith.constant 0 : i32
    %c0_i32_1 = arith.constant 0 : i32
    return %c0_i32, %c0_i32_0 : i32, i32
  }
}

module attributes {stable_mosaic.version = 14 : i64} {
  func.func @_loss_tc(%arg0: memref<1000x1xf32, #tpu.memory_space<vmem>>, %arg1: memref<1000x1000xf32, #tpu.memory_space<vmem>>, %arg2: memref<2x1000x1000xf32, #tpu.memory_space<vmem>>, %arg3: memref<1x1xf32, #tpu.memory_space<vmem>>) attributes {dimension_semantics = [], scalar_prefetch = 0 : i64, scratch_operands = 0 : i64, tpu.core_type = #tpu.core_type<tc>} {
    %get3A = arith.constant 0 : index
    %get3A_0 = arith.constant 0 : index
    %get3A_1 = arith.constant 0 : index
    %get3A_2 = vector.load %arg2[%get3A, %get3A_0, %get3A_1] : memref<2x1000x1000xf32, #tpu.memory_space<vmem>>, vector<1x1000x1000xf32>
    %get3A_3 = vector.shape_cast %get3A_2 : vector<1x1000x1000xf32> to vector<1000x1000xf32>
    %get3A_4 = arith.constant 1 : index
    %get3A_5 = arith.constant 0 : index
    %get3A_6 = arith.constant 0 : index
    %get3A_7 = vector.load %arg2[%get3A_4, %get3A_5, %get3A_6] : memref<2x1000x1000xf32, #tpu.memory_space<vmem>>, vector<1x1000x1000xf32>
    %get3A_8 = vector.shape_cast %get3A_7 : vector<1x1000x1000xf32> to vector<1000x1000xf32>
    %add3A = arith.addf %get3A_3, %get3A_8 : vector<1000x1000xf32>
    %get3A_9 = arith.constant 0 : index
    %get3A_10 = arith.constant 0 : index
    %get3A_11 = vector.load %arg1[%get3A_9, %get3A_10] : memref<1000x1000xf32, #tpu.memory_space<vmem>>, vector<1000x1000xf32>
    %reduce_sum3A = arith.constant dense<0.000000e+00> : vector<1000xf32>
    %reduce_sum3A_12 = vector.multi_reduction <add>, %get3A_11, %reduce_sum3A [1] : vector<1000x1000xf32> to vector<1000xf32>
    %broadcast_in_dim3A = vector.shape_cast %reduce_sum3A_12 : vector<1000xf32> to vector<1000x1xf32>
    %get3A_13 = arith.constant 0 : index
    %get3A_14 = arith.constant 0 : index
    %get3A_15 = vector.load %arg0[%get3A_13, %get3A_14] : memref<1000x1xf32, #tpu.memory_space<vmem>>, vector<1000x1xf32>
    %mul3A = arith.mulf %get3A_15, %broadcast_in_dim3A : vector<1000x1xf32>
    %reduce_sum3A_16 = vector.shape_cast %mul3A : vector<1000x1xf32> to vector<1x1000x1xf32>
    %reduce_sum3A_17 = arith.constant dense<0.000000e+00> : vector<1xf32>
    %reduce_sum3A_18 = vector.multi_reduction <add>, %reduce_sum3A_16, %reduce_sum3A_17 [1, 2] : vector<1x1000x1xf32> to vector<1xf32>
    %reduce_sum3A_19 = vector.shape_cast %reduce_sum3A_18 : vector<1xf32> to vector<1x1x1xf32>
    %reduce_sum3A_20 = vector.extract %reduce_sum3A_19[0, 0, 0] : f32 from vector<1x1x1xf32>
    %broadcast_in_dim3A_21 = vector.broadcast %reduce_sum3A_20 : f32 to vector<1x1xf32>
    %get3A_22 = arith.constant 0 : index
    %get3A_23 = arith.constant 0 : index
    %get3A_24 = vector.load %arg1[%get3A_22, %get3A_23] : memref<1000x1000xf32, #tpu.memory_space<vmem>>, vector<1000x1000xf32>
    %mul3A_25 = arith.mulf %get3A_24, %add3A : vector<1000x1000xf32>
    %reduce_sum3A_26 = vector.shape_cast %mul3A_25 : vector<1000x1000xf32> to vector<1x1000x1000xf32>
    %reduce_sum3A_27 = arith.constant dense<0.000000e+00> : vector<1xf32>
    %reduce_sum3A_28 = vector.multi_reduction <add>, %reduce_sum3A_26, %reduce_sum3A_27 [1, 2] : vector<1x1000x1000xf32> to vector<1xf32>
    %reduce_sum3A_29 = vector.shape_cast %reduce_sum3A_28 : vector<1xf32> to vector<1x1x1xf32>
    %reduce_sum3A_30 = vector.extract %reduce_sum3A_29[0, 0, 0] : f32 from vector<1x1x1xf32>
    %broadcast_in_dim3A_31 = vector.broadcast %reduce_sum3A_30 : f32 to vector<1x1xf32>
    %sub3A = arith.subf %broadcast_in_dim3A_21, %broadcast_in_dim3A_31 : vector<1x1xf32>
    %div3A = arith.constant 1.638400e+04 : f32
    %div3A_32 = vector.broadcast %div3A : f32 to vector<1x1xf32>
    %div3A_33 = arith.divf %sub3A, %div3A_32 : vector<1x1xf32>
    %swap3A = arith.constant 0 : index
    %swap3A_34 = arith.constant 0 : index
    %swap3A_35 = vector.load %arg3[%swap3A, %swap3A_34] : memref<1x1xf32, #tpu.memory_space<vmem>>, vector<1x1xf32>
    tpu.vector_store %arg3[%swap3A, %swap3A_34], %div3A_33 {strides = array<i32>} : memref<1x1xf32, #tpu.memory_space<vmem>>, vector<1x1xf32>,
    return
  }
}

</mosaic_0001>

<sc_bundles>
// kernel: kernel.5.cloned.1.call-start
scs
__scs_entry_jumppad:
0x0: {  	(pc) =	sbr.rel $0x88, $3  }
0x1: {  	(tag) =	ssettag $0x0;
	lr =	simm.s32 $0x1  }
0x2: {  	[smem:$0x3F9C] =	sst lr;
	_ =	strace $0xD0000000  }
0x3: {  	_ = 	snop  }
0x4: {  	_ = 	snop  }
0x5: {  	_ = 	snop  }
0x6: {  	_ = 	snop  }
0x7: {  	_ = 	snop  }
__scs_overlays_trampoline_lowered:
0x8: {  	[smem:$0x3FAB] =	sst s0  }
0x9: {  	[smem:$0x3FAC] =	sst s1  }
0xa: {  	[smem:$0x3FAD] =	sst s2  }
0xb: {  	[smem:$0x3FAE] =	sst s3  }
0xc: {  	[smem:$0x3FAF] =	sst s4  }
0xd: {  	[smem:$0x3FB0] =	sst s5  }
0xe: {  	[smem:$0x3FB1] =	sst s6  }
0xf: {  	[smem:$0x3FB2] =	sst s7  }
0x10: {  	[smem:$0x3FB3] =	sst s8  }
0x11: {  	[smem:$0x3FB4] =	sst s9;
	s0 =	simm.s32 @!p0 $0x0  }
0x12: {  	s1 =	sld [smem:$0x3F9A];
	s0 =	simm.s32 @p0 $0x1  }
0x13: {  	[smem:$0x3FB5] =	sst s0;
	s0 =	simm.s32 @!p1 $0x0  }
0x14: {  	s2 =	sld [smem:$0x3F99];
	s0 =	simm.s32 @p1 $0x1  }
0x15: {  	[smem:$0x3FB6] =	sst s0;
	s0 =	simm.s32 @!p2 $0x0  }
0x16: {  	s3 =	sld [smem:$0x3FDB];
	s0 =	simm.s32 @p2 $0x1  }
0x17: {  	s4 =	simm.s32 $0x1BF5;
	[smem:$0x3FB8] =	sst s0  }
0x18: {  	s0 =	sld [smem:$0x3F9B];
	_ =	swait.ge [sflag:s4], $0x0  }
0x19: {  	s7 =	sld [smem:$0x3F9C]  }
0x1a: {  	s8 =	sadd.s32 $0xFFFFE003, lr  }
0x1b: {  	s9 =	sadd.s32 $0xFFFFFEF7, lr;
	s5 =	simm.s32 $0xFFFFFFFF;
	p2 =	slt.u32 s8, $0xFFFFF086  }
0x1c: {  	p1 =	slt.u32 s9, $0xF7A;
	s5 =	simm.s32 @!p2 $0x0  }
0x1d: {  	s5 =	simm.s32 @p1 $0x1;
	p0 =	seq.s32 s7, s2  }
0x1e: {  	s7 =	smul.u32 @!p0 $0xF7A, s2;
	p2 =	seq.s32 @!p0 s5, $0x0  }
0x1f: {  	s9 =	smul.u32 $0xF7A, s1;
	s8 =	simm.s32 @!p0 $0x1BF5;
	p2 =	por !p2, p0  }
0x20: {  	[sflag:s8] =	ssyncset.s32 @!p0 $0xFFFFF086;
	s6 =	sadd.s32 @!p0 s3, s7;
	s7 =	simm.s32 @!p0 $0x108  }
0x21: {  	s3 =	sadd.s32 s3, s9;
	s6 =	sadd.s32 @!p0 $0x88, s6;
	s7 =	simm.s32 @p2 $0x1082  }
0x22: {  	[simem:s7], [sflag:s8] =	dma.local @!p0 [hbm:s6], $0xF7A  }
0x23: {  	s9 =	sor.u32 $0xD0000000, s2;
	s6 =	simm.s32 $0x108;
	_ =	swait.ge @!p0 [sflag:s8], $0x0  }
0x24: {  	s3 =	sadd.s32 $0x88, s3;
	s6 =	simm.s32 @!p1 $0x1082;
	[sflag:s4] =	ssyncset.s32 $0xFFFFF086  }
0x25: {  	[simem:s6], [sflag:s4] =	dma.local [hbm:s3], $0xF7A  }
0x26: {  	[smem:$0x3F9C] =	sst s1;
	(tag) =	ssettag s2;
	_ =	strace s9  }
0x27: {  	s1 =	sld [smem:$0x3FAC]  }
0x28: {  	s2 =	sld [smem:$0x3FAD]  }
0x29: {  	s4 =	sld [smem:$0x3FAF]  }
0x2a: {  	p0 =	seq.s32 s5, $0x0;
	s5 =	sld [smem:$0x3FB0]  }
0x2b: {  	s6 =	sld [smem:$0x3FB1]  }
0x2c: {  	s7 =	sld [smem:$0x3FB2]  }
0x2d: {  	s3 =	simm.s32 $0x108;
	s8 =	sld [smem:$0x3FB3]  }
0x2e: {  	s3 =	simm.s32 @!p0 $0x1082;
	s9 =	sld [smem:$0x3FB4]  }
0x2f: {  	lr =	sadd.s32 s0, s3;
	s0 =	sld [smem:$0x3FAB]  }
0x30: {  	s3 =	sld [smem:$0x3FAE]  }
0x31: {  	[smem:$0x3FB7] =	sst s10  }
0x32: {  	s10 =	sld [smem:$0x3FB5];
	_ =	sdelay $0x3  }
0x33: {  	p0 =	seq.s32 s10, $0x1;
	s10 =	sld [smem:$0x3FB7];
	_ =	sdelay $0x3  }
0x34: {  	[smem:$0x3FB7] =	sst s10  }
0x35: {  	s10 =	sld [smem:$0x3FB6];
	_ =	sdelay $0x3  }
0x36: {  	p1 =	seq.s32 s10, $0x1;
	s10 =	sld [smem:$0x3FB7];
	_ =	sdelay $0x3  }
0x37: {  	[smem:$0x3FB7] =	sst s10  }
0x38: {  	s10 =	sld [smem:$0x3FB8]  }
0x39: {  	_ = 	snop;
	(pc) =	sbr.ind lr, $3  }
0x3a: {  	_ = 	snop  }
0x3b: {  	_ = 	snop  }
0x3c: {  	p2 =	seq.s32 s10, $0x1;
	s10 =	sld [smem:$0x3FB7]  }
0x3d: {  	_ =	shalt  }
0x3e: {  	_ =	shalt  }
0x3f: {  	_ =	shalt  }
0x40: {  	_ =	shalt  }
0x41: {  	_ =	shalt  }
0x42: {  	_ =	shalt  }
0x43: {  	_ =	shalt  }
0x44: {  	_ =	shalt  }
0x45: {  	_ =	shalt  }
0x46: {  	_ =	shalt  }
0x47: {  	_ =	shalt  }
0x48: {  	_ =	shalt  }
0x49: {  	_ =	shalt  }
0x4a: {  	_ =	shalt  }
0x4b: {  	_ =	shalt  }
0x4c: {  	_ =	shalt  }
0x4d: {  	_ =	shalt  }
0x4e: {  	_ =	shalt  }
0x4f: {  	_ =	shalt  }
0x50: {  	_ =	shalt  }
0x51: {  	_ =	shalt  }
0x52: {  	_ =	shalt  }
0x53: {  	_ =	shalt  }
0x54: {  	_ =	shalt  }
0x55: {  	_ =	shalt  }
0x56: {  	_ =	shalt  }
0x57: {  	_ =	shalt  }
0x58: {  	_ =	shalt  }
0x59: {  	_ =	shalt  }
0x5a: {  	_ =	shalt  }
0x5b: {  	_ =	shalt  }
0x5c: {  	_ =	shalt  }
0x5d: {  	_ =	shalt  }
0x5e: {  	_ =	shalt  }
0x5f: {  	_ =	shalt  }
0x60: {  	_ =	shalt  }
0x61: {  	_ =	shalt  }
0x62: {  	_ =	shalt  }
0x63: {  	_ =	shalt  }
0x64: {  	_ =	shalt  }
0x65: {  	_ =	shalt  }
0x66: {  	_ =	shalt  }
0x67: {  	_ =	shalt  }
0x68: {  	_ =	shalt  }
0x69: {  	_ =	shalt  }
0x6a: {  	_ =	shalt  }
0x6b: {  	_ =	shalt  }
0x6c: {  	_ =	shalt  }
0x6d: {  	_ =	shalt  }
0x6e: {  	_ =	shalt  }
0x6f: {  	_ =	shalt  }
0x70: {  	_ =	shalt  }
0x71: {  	_ =	shalt  }
0x72: {  	_ =	shalt  }
0x73: {  	_ =	shalt  }
0x74: {  	_ =	shalt  }
0x75: {  	_ =	shalt  }
0x76: {  	_ =	shalt  }
0x77: {  	_ =	shalt  }
0x78: {  	_ =	shalt  }
0x79: {  	_ =	shalt  }
0x7a: {  	_ =	shalt  }
0x7b: {  	_ =	shalt  }
0x7c: {  	_ =	shalt  }
0x7d: {  	_ =	shalt  }
0x7e: {  	_ =	shalt  }
0x7f: {  	_ =	shalt  }
0x80: {  	_ =	shalt  }
0x81: {  	_ =	shalt  }
0x82: {  	_ =	shalt  }
0x83: {  	_ =	shalt  }
0x84: {  	_ =	shalt  }
0x85: {  	_ =	shalt  }
0x86: {  	_ =	shalt  }
0x87: {  	_ =	shalt  }
.Lfunc_end0:
.L_simem_size_0:
called_computation_lowered:
.L_overlay_start_0:
0x88: {  	s2 =	sld [smem:$0x3FD9]  }
0x89: {  	s3 =	sld [smem:$0x3FFE];
	_ =	sdelay $0x1  }
0x8a: {  	s1 =	srdreg.scid  }
0x8b: {  	s0 =	sand.u32 $0x1, s1  }
0x8c: {  	s17 =	sshll.u32 s0, $0xA;
	s2 =	sadd.s32 s3, s2  }
0x8d: {  	s2 =	sadd.s32 s2, s17  }
0x8e: {  	[smem:$0x3FC3] =	sst s2  }
0x8f: {  	_ = 	snop  }
0x90: {  	s2 =	sld [smem:$0x3FC8];
	(tm) =	ssettm $0x1  }
0x91: {  	s18 =	sld [smem:$0x3FFB];
	_ =	sdelay $0x3  }
0x92: {  	_ =	strace s18  }
0x93: {  	s3 =	sld [smem:$0x3FFC];
	_ =	sdelay $0x3  }
0x94: {  	_ =	strace s3  }
0x95: {  	s3 =	sld [smem:$0x3FFD];
	_ =	sdelay $0x3  }
0x96: {  	_ =	strace s3  }
0x97: {  	_ =	strace $0x8FFFFFFF  }
0x98: {  	s19 =	sld [smem:$0x3FDB];
	_ =	sdelay $0x1  }
0x99: {  	s4 =	simm.s32 $_scs_section_size  }
0x9a: {  	s5 =	simm.s32 $_size__tile_overlayer_lowered;
	s6 =	simm.s32 $_tile_overlayer_lowered  }
0x9b: {  	s22 =	simm.s32 $0x1BFF;
	s21 =	sshll.u32 s6, $0x1;
	s3 =	sadd.s32 s4, s19  }
0x9c: {  	s7 =	simm.s32 $0x0;
	s20 =	sshll.u32 s5, $0x1;
	s5 =	sadd.s32 s21, s3  }
0x9d: {  	[timem:s7], [sflag:s22] =	dma.local [hbm:s5], s20  }
0x9e: {  	_ =	swait.ge [sflag:s22], s20  }
0x9f: {  	s4 =	ssub.s32 $0x0, s20;
	[sflag:s22] =	ssyncset.done $0x0  }
0xa0: {  	[sflag:s22] =	ssyncadd.s32 s4;
	_ =	sdelay $0x1  }
0xa1: {  	s23 =	simm.s32 $0x1B8B  }
0xa2: {  	_ =	swait.ge [sflag:s23], $0x1  }
0xa3: {  	[sflag:s23] =	ssyncset.done $0x0  }
0xa4: {  	s25 =	simm.s32 $0x1B8E;
	s24 =	sld [smem:$0x3FFE];
	[sflag:s23] =	ssyncadd.s32 $0xFFFFFFFF  }
0xa5: {  	s26 =	simm.s32 $execute0_lowered;
	[smem:$0x3FD2] =	sst s25  }
0xa6: {  	s5 =	sshll.u32 s26, $0x1;
	_ =	strace $0x80000046;
	[dreg:$0x1] =	wrdreg $0xFFFFFFFF  }
0xa7: {  	s28 =	simm.s32 $_size_execute0_lowered;
	s3 =	sadd.s32 s3, s5;
	[dreg:$0x0] =	wrdreg $0x0  }
0xa8: {  	s5 =	sshll.u32 s28, $0x1;
	[dreg:$0x2] =	wrdreg s3  }
0xa9: {  	[dreg:$0x3] =	wrdreg s5  }
0xaa: {  	[dreg:$0x4] =	wrdreg $0xC0  }
0xab: {  	_ =	task [dreg:s7], $0x5FFFF  }
0xac: {  	[dreg:$0x1] =	wrdreg $0xFFFFFFFF  }
0xad: {  	[dreg:$0x0] =	wrdreg $0x60  }
0xae: {  	[dreg:$0x2] =	wrdreg s24  }
0xaf: {  	[dreg:$0x3] =	wrdreg s2  }
0xb0: {  	[dreg:$0x4] =	wrdreg $0xFC000  }
0xb1: {  	[dreg:$0x5] =	wrdreg $0x9  }
0xb2: {  	_ =	task.clear_ibuf [dreg:s7], $0x6FFFF;
	_ =	strace $0x90000046  }
0xb3: {  	s29 =	simm.s32 $0x9;
	_ =	strace $0x80000048  }
0xb4: {  	_ =	swait.ge [sflag:s29], $0x1  }
0xb5: {  	[sflag:s29] =	ssyncadd.s32 $0xFFFFFFFF  }
0xb6: {  	_ =	strace $0x90000048  }
0xb7: {  	_ =	sfence  }
0xb8: {  	s30 =	sld [smem:$0x0];
	_ =	sdelay $0x2  }
0xb9: {  	s31 =	sshll.u32 s1, $0xD;
	s1 =	sshrl.u32 s1, $0x2  }
0xba: {  	s3 =	sand.u32 $0x4000, s31;
	s1 =	sadd.s32 s1, s30  }
0xbb: {  	s0 =	sor.u32 s3, s0;
	s1 =	sshll.u32 s1, $0x11  }
0xbc: {  	s0 =	sor.u32 s1, s0  }
0xbd: {  	s0 =	sadd.s32 $0x8F2B, s0  }
0xbe: {  	[sflag:s0] =	ssyncadd.remote.s32 $0x1  }
0xbf: {  	_ =	sfence.sel $0xFFFF  }
0xc0: {  	[dreg:$0x0] =	wrdreg $0xFFFFFFFF;
	(pc) =	sbr.abs _section_cstart, $3  }
0xc1: {  	[dreg:$0x1] =	wrdreg $0xFFFFFFFF  }
0xc2: {  	_ =	task.clear_ibuf [dreg:s7], $0x2FFFF;
	_ =	strace $0x9FFFFFFF  }
0xc3: {  	(tm) =	ssettm $0x7FFFFFFF  }
tec
execute0_lowered:
.L_overlay_start_1:
0x0: {  	(tag) =	ssettag $0x1  }
0x1: {  	s0 =	rddreg [dreg:$0x0]  }
0x2: {  	s3 =	rddreg [dreg:$0x1]  }
0x3: {  	s1 =	rddreg [dreg:$0x2]  }
0x4: {  	s31 =	rddreg [dreg:$0x3];
	s4 =	srdreg.scid  }
0x5: {  	s2 =	simm.s32 $0x0;
	s5 =	stileid.u32;
	s28 =	simm.s32 $0x5  }
0x6: {  	p1 =	por $0x0, $0x0;
	s4 =	sand.u32 $0x1, s4;
	[smem:$0x7FF] =	sst s2  }
0x7: {  	s7 =	sshll.u32 s5, $0x9;
	s30 =	sadd.s32 $0x200E00, s0;
	s6 =	sshll.u32 s4, $0xD  }
0x8: {  	s9 =	sadd.s32 $0x3F4E00, s0;
	s21 =	smul.u32 $0x1E848, s4;
	s6 =	sor.u32 s7, s6  }
0x9: {  	p0 =	sne.s32 s5, $0x0;
	s5 =	simm.s32 $0x4;
	s8 =	smul.u32 $0x3E8, s6  }
0xa: {  	_ =	strace $0x80000047;
	s10 =	sshrl.u32 s6, $0x3;
	s6 =	smul.u32 $0x7D, s6  }
0xb: {  	[dreg:$0x4] =	wrdreg s9;
	s0 =	sadd.s32 s21, s0;
	s3 =	sadd.s32 s3, s10  }
0xc: {  	s8 =	sshrl.u32 s8, $0x3;
	[dreg:$0x5] =	wrdreg s3;
	s10 =	sadd.s32 s30, s6  }
0xd: {  	s3 =	sadd.s32 $0x413800, s0;
	s0 =	rddreg [dreg:$0x4];
	s11 =	sadd.s32 s30, s8  }
0xe: {  	s4 =	ssub.s32 $0x2, s4;
	[dreg:$0x6] =	wrdreg s10;
	s12 =	sadd.s32 $0xFA0, s11  }
0xf: {  	s9 =	simm.s32 $0x20;
	s13 =	sadd.s32 $0x1F40, s11;
	[dreg:$0x7] =	wrdreg s12  }
0x10: {  	s26 =	sshrl.u32 s4, $0x1;
	s14 =	sadd.s32 $0x2EE0, s11;
	[dreg:$0x8] =	wrdreg s13  }
0x11: {  	s7 =	simm.s32 $0x3;
	s15 =	sadd.s32 $0x3E80, s11;
	[dreg:$0x9] =	wrdreg s14  }
0x12: {  	s4 =	ssub.s32 s4, s26;
	s16 =	sadd.s32 $0x4E20, s11;
	[dreg:$0xa] =	wrdreg s15  }
0x13: {  	s26 =	simm.s32 $0x40;
	s17 =	sadd.s32 $0x5DC0, s11;
	[dreg:$0xb] =	wrdreg s16  }
0x14: {  	s21 =	simm.s32 $0xE0;
	s18 =	sadd.s32 $0x6D60, s11;
	[dreg:$0xc] =	wrdreg s17  }
0x15: {  	s6 =	simm.s32 $0x7F00;
	s19 =	sadd.s32 $0x7D00, s11;
	[dreg:$0xd] =	wrdreg s18  }
0x16: {  	s30 =	smax.u32 s4, $0x1;
	s20 =	sadd.s32 $0x8CA0, s11;
	[dreg:$0xe] =	wrdreg s19  }
0x17: {  	s4 =	sshrl.u32 @!p0 s1, $0x3;
	s22 =	sadd.s32 $0x9C40, s11;
	[dreg:$0xf] =	wrdreg s20  }
0x18: {  	s10 =	simm.s32 $0x200;
	s23 =	sadd.s32 $0xABE0, s11;
	[dreg:$0x10] =	wrdreg s22  }
0x19: {  	s24 =	sadd.s32 $0xBB80, s11;
	s25 =	sadd.s32 $0xCB20, s11;
	[dreg:$0x11] =	wrdreg s23  }
0x1a: {  	s29 =	sadd.s32 $0xDAC0, s11;
	[dreg:$0x12] =	wrdreg s24;
	s13 =	sadd.s32 $0xFFFFFFFF, s30  }
0x1b: {  	s8 =	sadd.s32 $0xEA60, s11;
	[dreg:$0x13] =	wrdreg s25;
	p2 =	sne.s32 s13, $0x0  }
.Ltmp0:
0x1c: {  	s11 =	simm.s32 $0x2;
	[dreg:$0x14] =	wrdreg s29;
	(pc) =	sbr.rel @!p2 .LBB2_1-.Ltmp0, $4  }
0x1d: {  	s12 =	simm.s32 $0x1;
	s25 =	simm.s32 $0x60;
	s24 =	simm.s32 $0x80  }
0x1e: {  	s23 =	simm.s32 $0xA0;
	s22 =	simm.s32 $0xC0;
	s20 =	simm.s32 $0x100  }
0x1f: {  	s19 =	simm.s32 $0x120;
	s18 =	simm.s32 $0x140;
	s17 =	simm.s32 $0x160  }
0x20: {  	s16 =	simm.s32 $0x180;
	s15 =	simm.s32 $0x1A0;
	s14 =	simm.s32 $0x1C0  }
0x21: {  	s30 =	simm.s32 @!p0 $0x1C05;
	s29 =	simm.s32 @!p0 $0x5  }
0x22: {  	[spmem:s4], [sflag:s30] =	dma.local @!p0 [hbm:s0], $0x1E848  }
0x23: {  	_ =	swait.ge @!p0 [sflag:s29], $0x1E848  }
0x24: {  	[sflag:s29] =	ssyncset.done @!p0 $0x0  }
0x25: {  	[sflag:s29] =	ssyncadd.s32 @!p0 $0xFFFE17B8  }
0x26: {  	[bflag:$0x0] =	sbarrier.arrive $0xFFFF  }
0x27: {  	s0 =	rddreg [dreg:$0x5]  }
0x28: {  	[tilespmem:s2], [sflag:$0x5] =	stream.linear.gather [hbm4b:s0+s2], $0x200, $0x38;
	[tilespmem:$0x1F028] =	vst v63  }
0x29: {  	_ =	swait.ge [sflag:s28], $0x200  }
0x2a: {  	[sflag:s28] =	ssyncset.done $0x0  }
0x2b: {  	s0 =	rddreg [dreg:$0x6];
	[sflag:s28] =	ssyncadd.s32 $0xFFFFFE00  }
0x2c: {  	[tilespmem:s10], [sflag:$0x1] =	stream.linear.gather [hbm4b:s0+s2], $0x7D00, $0x38;
	[tilespmem:$0x1F028] =	vst v63  }
0x2d: {  	s31 =	rddreg [dreg:$0x7]  }
0x2e: {  	[tilespmem:s6], [sflag:$0x2] =	stream.linear.gather [hbm4b:s31+s2], $0x7D00, $0x38;
	[tilespmem:$0x1F028] =	vst v63  }
0x2f: {  	_ =	swait.ge [sflag:s12], $0x7D00  }
0x30: {  	[sflag:s12] =	ssyncset.done $0x0  }
0x31: {  	[sflag:s12] =	ssyncadd.s32 $0xFFFF8300  }
0x32: {  	[spmem:s1] =	stream.indirect.scatter.add.f32 [tilespmem:s10], [sflag:$0x3], $0x3E8, s2, s9, $0xb8;
	[tilespmem:$0x1F028] =	vst v63  }
0x33: {  	_ =	swait.ge [sflag:s7], $0x7D00  }
0x34: {  	[sflag:s7] =	ssyncset.done $0x0  }
0x35: {  	s0 =	rddreg [dreg:$0x8];
	[sflag:s7] =	ssyncadd.s32 $0xFFFF8300  }
0x36: {  	[tilespmem:s10], [sflag:$0x1] =	stream.linear.gather [hbm4b:s0+s2], $0x7D00, $0x38;
	[tilespmem:$0x1F028] =	vst v63  }
0x37: {  	_ =	swait.ge [sflag:s11], $0x7D00  }
0x38: {  	[sflag:s11] =	ssyncset.done $0x0  }
0x39: {  	[sflag:s11] =	ssyncadd.s32 $0xFFFF8300  }
0x3a: {  	[spmem:s1] =	stream.indirect.scatter.add.f32 [tilespmem:s6], [sflag:$0x4], $0x3E8, s9, s9, $0xb8;
	[tilespmem:$0x1F028] =	vst v63  }
0x3b: {  	_ =	swait.ge [sflag:s5], $0x7D00  }
0x3c: {  	[sflag:s5] =	ssyncset.done $0x0  }
0x3d: {  	s0 =	rddreg [dreg:$0x9];
	[sflag:s5] =	ssyncadd.s32 $0xFFFF8300  }
0x3e: {  	[tilespmem:s6], [sflag:$0x2] =	stream.linear.gather [hbm4b:s0+s2], $0x7D00, $0x38;
	[tilespmem:$0x1F028] =	vst v63  }
0x3f: {  	_ =	swait.ge [sflag:s12], $0x7D00  }
0x40: {  	[sflag:s12] =	ssyncset.done $0x0  }
0x41: {  	[sflag:s12] =	ssyncadd.s32 $0xFFFF8300  }
0x42: {  	[spmem:s1] =	stream.indirect.scatter.add.f32 [tilespmem:s10], [sflag:$0x3], $0x3E8, s26, s9, $0xb8;
	[tilespmem:$0x1F028] =	vst v63  }
0x43: {  	_ =	swait.ge [sflag:s7], $0x7D00  }
0x44: {  	[sflag:s7] =	ssyncset.done $0x0  }
0x45: {  	s0 =	rddreg [dreg:$0xa];
	[sflag:s7] =	ssyncadd.s32 $0xFFFF8300  }
0x46: {  	[tilespmem:s10], [sflag:$0x1] =	stream.linear.gather [hbm4b:s0+s2], $0x7D00, $0x38;
	[tilespmem:$0x1F028] =	vst v63  }
0x47: {  	_ =	swait.ge [sflag:s11], $0x7D00  }
0x48: {  	[sflag:s11] =	ssyncset.done $0x0  }
0x49: {  	[sflag:s11] =	ssyncadd.s32 $0xFFFF8300  }
0x4a: {  	[spmem:s1] =	stream.indirect.scatter.add.f32 [tilespmem:s6], [sflag:$0x4], $0x3E8, s25, s9, $0xb8;
	[tilespmem:$0x1F028] =	vst v63  }
0x4b: {  	_ =	swait.ge [sflag:s5], $0x7D00  }
0x4c: {  	[sflag:s5] =	ssyncset.done $0x0  }
0x4d: {  	s0 =	rddreg [dreg:$0xb];
	[sflag:s5] =	ssyncadd.s32 $0xFFFF8300  }
0x4e: {  	[tilespmem:s6], [sflag:$0x2] =	stream.linear.gather [hbm4b:s0+s2], $0x7D00, $0x38;
	[tilespmem:$0x1F028] =	vst v63  }
0x4f: {  	_ =	swait.ge [sflag:s12], $0x7D00  }
0x50: {  	[sflag:s12] =	ssyncset.done $0x0  }
0x51: {  	[sflag:s12] =	ssyncadd.s32 $0xFFFF8300  }
0x52: {  	[spmem:s1] =	stream.indirect.scatter.add.f32 [tilespmem:s10], [sflag:$0x3], $0x3E8, s24, s9, $0xb8;
	[tilespmem:$0x1F028] =	vst v63  }
0x53: {  	_ =	swait.ge [sflag:s7], $0x7D00  }
0x54: {  	[sflag:s7] =	ssyncset.done $0x0  }
0x55: {  	s0 =	rddreg [dreg:$0xc];
	[sflag:s7] =	ssyncadd.s32 $0xFFFF8300  }
0x56: {  	[tilespmem:s10], [sflag:$0x1] =	stream.linear.gather [hbm4b:s0+s2], $0x7D00, $0x38;
	[tilespmem:$0x1F028] =	vst v63  }
0x57: {  	_ =	swait.ge [sflag:s11], $0x7D00  }
0x58: {  	[sflag:s11] =	ssyncset.done $0x0  }
0x59: {  	[sflag:s11] =	ssyncadd.s32 $0xFFFF8300  }
0x5a: {  	[spmem:s1] =	stream.indirect.scatter.add.f32 [tilespmem:s6], [sflag:$0x4], $0x3E8, s23, s9, $0xb8;
	[tilespmem:$0x1F028] =	vst v63  }
0x5b: {  	_ =	swait.ge [sflag:s5], $0x7D00  }
0x5c: {  	[sflag:s5] =	ssyncset.done $0x0  }
0x5d: {  	s0 =	rddreg [dreg:$0xd];
	[sflag:s5] =	ssyncadd.s32 $0xFFFF8300  }
0x5e: {  	[tilespmem:s6], [sflag:$0x2] =	stream.linear.gather [hbm4b:s0+s2], $0x7D00, $0x38;
	[tilespmem:$0x1F028] =	vst v63  }
0x5f: {  	_ =	swait.ge [sflag:s12], $0x7D00  }
0x60: {  	[sflag:s12] =	ssyncset.done $0x0  }
0x61: {  	[sflag:s12] =	ssyncadd.s32 $0xFFFF8300  }
0x62: {  	[spmem:s1] =	stream.indirect.scatter.add.f32 [tilespmem:s10], [sflag:$0x3], $0x3E8, s22, s9, $0xb8;
	[tilespmem:$0x1F028] =	vst v63  }
0x63: {  	_ =	swait.ge [sflag:s7], $0x7D00  }
0x64: {  	[sflag:s7] =	ssyncset.done $0x0  }
0x65: {  	s0 =	rddreg [dreg:$0xe];
	[sflag:s7] =	ssyncadd.s32 $0xFFFF8300  }
0x66: {  	[tilespmem:s10], [sflag:$0x1] =	stream.linear.gather [hbm4b:s0+s2], $0x7D00, $0x38;
	[tilespmem:$0x1F028] =	vst v63  }
0x67: {  	_ =	swait.ge [sflag:s11], $0x7D00  }
0x68: {  	[sflag:s11] =	ssyncset.done $0x0  }
0x69: {  	[sflag:s11] =	ssyncadd.s32 $0xFFFF8300  }
0x6a: {  	[spmem:s1] =	stream.indirect.scatter.add.f32 [tilespmem:s6], [sflag:$0x4], $0x3E8, s21, s9, $0xb8;
	[tilespmem:$0x1F028] =	vst v63  }
0x6b: {  	_ =	swait.ge [sflag:s5], $0x7D00  }
0x6c: {  	[sflag:s5] =	ssyncset.done $0x0  }
0x6d: {  	s0 =	rddreg [dreg:$0xf];
	[sflag:s5] =	ssyncadd.s32 $0xFFFF8300  }
0x6e: {  	[tilespmem:s6], [sflag:$0x2] =	stream.linear.gather [hbm4b:s0+s2], $0x7D00, $0x38;
	[tilespmem:$0x1F028] =	vst v63  }
0x6f: {  	_ =	swait.ge [sflag:s12], $0x7D00  }
0x70: {  	[sflag:s12] =	ssyncset.done $0x0  }
0x71: {  	[sflag:s12] =	ssyncadd.s32 $0xFFFF8300  }
0x72: {  	[spmem:s1] =	stream.indirect.scatter.add.f32 [tilespmem:s10], [sflag:$0x3], $0x3E8, s20, s9, $0xb8;
	[tilespmem:$0x1F028] =	vst v63  }
0x73: {  	_ =	swait.ge [sflag:s7], $0x7D00  }
0x74: {  	[sflag:s7] =	ssyncset.done $0x0  }
0x75: {  	s0 =	rddreg [dreg:$0x10];
	[sflag:s7] =	ssyncadd.s32 $0xFFFF8300  }
0x76: {  	[tilespmem:s10], [sflag:$0x1] =	stream.linear.gather [hbm4b:s0+s2], $0x7D00, $0x38;
	[tilespmem:$0x1F028] =	vst v63  }
0x77: {  	_ =	swait.ge [sflag:s11], $0x7D00  }
0x78: {  	[sflag:s11] =	ssyncset.done $0x0  }
0x79: {  	[sflag:s11] =	ssyncadd.s32 $0xFFFF8300  }
0x7a: {  	[spmem:s1] =	stream.indirect.scatter.add.f32 [tilespmem:s6], [sflag:$0x4], $0x3E8, s19, s9, $0xb8;
	[tilespmem:$0x1F028] =	vst v63  }
0x7b: {  	_ =	swait.ge [sflag:s5], $0x7D00  }
0x7c: {  	[sflag:s5] =	ssyncset.done $0x0  }
0x7d: {  	s0 =	rddreg [dreg:$0x11];
	[sflag:s5] =	ssyncadd.s32 $0xFFFF8300  }
0x7e: {  	[tilespmem:s6], [sflag:$0x2] =	stream.linear.gather [hbm4b:s0+s2], $0x7D00, $0x38;
	[tilespmem:$0x1F028] =	vst v63  }
0x7f: {  	_ =	swait.ge [sflag:s12], $0x7D00  }
0x80: {  	[sflag:s12] =	ssyncset.done $0x0  }
0x81: {  	[sflag:s12] =	ssyncadd.s32 $0xFFFF8300  }
0x82: {  	[spmem:s1] =	stream.indirect.scatter.add.f32 [tilespmem:s10], [sflag:$0x3], $0x3E8, s18, s9, $0xb8;
	[tilespmem:$0x1F028] =	vst v63  }
0x83: {  	_ =	swait.ge [sflag:s7], $0x7D00  }
0x84: {  	[sflag:s7] =	ssyncset.done $0x0  }
0x85: {  	s0 =	rddreg [dreg:$0x12];
	[sflag:s7] =	ssyncadd.s32 $0xFFFF8300  }
0x86: {  	[tilespmem:s10], [sflag:$0x1] =	stream.linear.gather [hbm4b:s0+s2], $0x7D00, $0x38;
	[tilespmem:$0x1F028] =	vst v63  }
0x87: {  	_ =	swait.ge [sflag:s11], $0x7D00  }
0x88: {  	[sflag:s11] =	ssyncset.done $0x0  }
0x89: {  	[sflag:s11] =	ssyncadd.s32 $0xFFFF8300  }
0x8a: {  	[spmem:s1] =	stream.indirect.scatter.add.f32 [tilespmem:s6], [sflag:$0x4], $0x3E8, s17, s9, $0xb8;
	[tilespmem:$0x1F028] =	vst v63  }
0x8b: {  	_ =	swait.ge [sflag:s5], $0x7D00  }
0x8c: {  	[sflag:s5] =	ssyncset.done $0x0  }
0x8d: {  	s0 =	rddreg [dreg:$0x13];
	[sflag:s5] =	ssyncadd.s32 $0xFFFF8300  }
0x8e: {  	[tilespmem:s6], [sflag:$0x2] =	stream.linear.gather [hbm4b:s0+s2], $0x7D00, $0x38;
	[tilespmem:$0x1F028] =	vst v63  }
0x8f: {  	_ =	swait.ge [sflag:s12], $0x7D00  }
0x90: {  	[sflag:s12] =	ssyncset.done $0x0  }
0x91: {  	[sflag:s12] =	ssyncadd.s32 $0xFFFF8300  }
0x92: {  	[spmem:s1] =	stream.indirect.scatter.add.f32 [tilespmem:s10], [sflag:$0x3], $0x3E8, s16, s9, $0xb8;
	[tilespmem:$0x1F028] =	vst v63  }
0x93: {  	_ =	swait.ge [sflag:s7], $0x7D00  }
0x94: {  	[sflag:s7] =	ssyncset.done $0x0  }
0x95: {  	s0 =	rddreg [dreg:$0x14];
	[sflag:s7] =	ssyncadd.s32 $0xFFFF8300  }
0x96: {  	[tilespmem:s10], [sflag:$0x1] =	stream.linear.gather [hbm4b:s0+s2], $0x7D00, $0x38;
	[tilespmem:$0x1F028] =	vst v63  }
0x97: {  	_ =	swait.ge [sflag:s11], $0x7D00  }
0x98: {  	[sflag:s11] =	ssyncset.done $0x0  }
0x99: {  	[sflag:s11] =	ssyncadd.s32 $0xFFFF8300  }
0x9a: {  	[spmem:s1] =	stream.indirect.scatter.add.f32 [tilespmem:s6], [sflag:$0x4], $0x3E8, s15, s9, $0xb8;
	[tilespmem:$0x1F028] =	vst v63  }
0x9b: {  	_ =	swait.ge [sflag:s5], $0x7D00  }
0x9c: {  	[sflag:s5] =	ssyncset.done $0x0  }
0x9d: {  	[sflag:s5] =	ssyncadd.s32 $0xFFFF8300  }
0x9e: {  	[tilespmem:s6], [sflag:$0x2] =	stream.linear.gather [hbm4b:s8+s2], $0x7D00, $0x38;
	[tilespmem:$0x1F028] =	vst v63  }
0x9f: {  	_ =	swait.ge [sflag:s12], $0x7D00  }
0xa0: {  	[sflag:s12] =	ssyncset.done $0x0  }
0xa1: {  	[sflag:s12] =	ssyncadd.s32 $0xFFFF8300  }
0xa2: {  	[spmem:s1] =	stream.indirect.scatter.add.f32 [tilespmem:s10], [sflag:$0x3], $0x3E8, s14, s9, $0xb8;
	[tilespmem:$0x1F028] =	vst v63  }
0xa3: {  	_ =	swait.ge [sflag:s11], $0x7D00  }
0xa4: {  	[sflag:s11] =	ssyncset.done $0x0  }
0xa5: {  	s0 =	simm.s32 $0x1E0;
	[sflag:s11] =	ssyncadd.s32 $0xFFFF8300  }
0xa6: {  	[spmem:s1] =	stream.indirect.scatter.add.f32 [tilespmem:s6], [sflag:$0x4], $0x3E8, s0, s9, $0xb8;
	[tilespmem:$0x1F028] =	vst v63  }
0xa7: {  	_ =	swait.ge [sflag:s7], $0x7D00  }
0xa8: {  	[sflag:s7] =	ssyncset.done $0x0  }
0xa9: {  	[sflag:s7] =	ssyncadd.s32 $0xFFFF8300  }
0xaa: {  	s31 =	sadd.s32 $0xFFFFFFFF, s13;
	_ =	swait.ge [sflag:s5], $0x7D00  }
0xab: {  	p2 =	sne.s32 s31, $0x0;
	[sflag:s5] =	ssyncset.done $0x0  }
.Ltmp1:
0xac: {  	[sflag:s5] =	ssyncadd.s32 $0xFFFF8300;
	(pc) =	sbr.rel @!p2 .LBB2_3-.Ltmp1, $4  }
0xad: {  	[bflag:$0x0] =	sbarrier.arrive $0xFFFF  }
0xae: {  	[hbm:s3], [sflag:s30] =	dma.local @!p0 [spmem:s4], $0x1E848  }
0xaf: {  	_ =	swait.ge @!p0 [sflag:s29], $0x1E848  }
0xb0: {  	p1 =	por $0x1, $0x1;
	s0 =	rddreg [dreg:$0x4];
	[sflag:s29] =	ssyncset.done @!p0 $0x0  }
.LBB2_4:
0xb1: {  	[sflag:s29] =	ssyncadd.s32 @!p0 $0xFFFE17B8  }
0xb2: {  	[spmem:s4], [sflag:s30] =	dma.local @!p0 [hbm:s0], $0x1E848  }
0xb3: {  	_ =	swait.ge @!p0 [sflag:s29], $0x1E848  }
0xb4: {  	[sflag:s29] =	ssyncset.done @!p0 $0x0  }
0xb5: {  	[sflag:s29] =	ssyncadd.s32 @!p0 $0xFFFE17B8  }
0xb6: {  	[bflag:$0x0] =	sbarrier.arrive $0xFFFF  }
0xb7: {  	s13 =	rddreg [dreg:$0x5]  }
0xb8: {  	[tilespmem:s2], [sflag:$0x5] =	stream.linear.gather [hbm4b:s13+s2], $0x200, $0x38;
	[tilespmem:$0x1F028] =	vst v63  }
0xb9: {  	_ =	swait.ge [sflag:s28], $0x200  }
0xba: {  	[sflag:s28] =	ssyncset.done $0x0  }
0xbb: {  	s0 =	rddreg [dreg:$0x6];
	[sflag:s28] =	ssyncadd.s32 $0xFFFFFE00  }
0xbc: {  	[tilespmem:s10], [sflag:$0x1] =	stream.linear.gather [hbm4b:s0+s2], $0x7D00, $0x38;
	[tilespmem:$0x1F028] =	vst v63  }
0xbd: {  	s13 =	rddreg [dreg:$0x7]  }
0xbe: {  	[tilespmem:s6], [sflag:$0x2] =	stream.linear.gather [hbm4b:s13+s2], $0x7D00, $0x38;
	[tilespmem:$0x1F028] =	vst v63  }
0xbf: {  	_ =	swait.ge [sflag:s12], $0x7D00  }
0xc0: {  	[sflag:s12] =	ssyncset.done $0x0  }
0xc1: {  	[sflag:s12] =	ssyncadd.s32 $0xFFFF8300  }
0xc2: {  	[spmem:s1] =	stream.indirect.scatter.add.f32 [tilespmem:s10], [sflag:$0x3], $0x3E8, s2, s9, $0xb8;
	[tilespmem:$0x1F028] =	vst v63  }
0xc3: {  	_ =	swait.ge [sflag:s7], $0x7D00  }
0xc4: {  	[sflag:s7] =	ssyncset.done $0x0  }
0xc5: {  	s0 =	rddreg [dreg:$0x8];
	[sflag:s7] =	ssyncadd.s32 $0xFFFF8300  }
0xc6: {  	[tilespmem:s10], [sflag:$0x1] =	stream.linear.gather [hbm4b:s0+s2], $0x7D00, $0x38;
	[tilespmem:$0x1F028] =	vst v63  }
0xc7: {  	_ =	swait.ge [sflag:s11], $0x7D00  }
0xc8: {  	[sflag:s11] =	ssyncset.done $0x0  }
0xc9: {  	[sflag:s11] =	ssyncadd.s32 $0xFFFF8300  }
0xca: {  	[spmem:s1] =	stream.indirect.scatter.add.f32 [tilespmem:s6], [sflag:$0x4], $0x3E8, s9, s9, $0xb8;
	[tilespmem:$0x1F028] =	vst v63  }
0xcb: {  	_ =	swait.ge [sflag:s5], $0x7D00  }
0xcc: {  	[sflag:s5] =	ssyncset.done $0x0  }
0xcd: {  	s0 =	rddreg [dreg:$0x9];
	[sflag:s5] =	ssyncadd.s32 $0xFFFF8300  }
0xce: {  	[tilespmem:s6], [sflag:$0x2] =	stream.linear.gather [hbm4b:s0+s2], $0x7D00, $0x38;
	[tilespmem:$0x1F028] =	vst v63  }
0xcf: {  	_ =	swait.ge [sflag:s12], $0x7D00  }
0xd0: {  	[sflag:s12] =	ssyncset.done $0x0  }
0xd1: {  	[sflag:s12] =	ssyncadd.s32 $0xFFFF8300  }
0xd2: {  	[spmem:s1] =	stream.indirect.scatter.add.f32 [tilespmem:s10], [sflag:$0x3], $0x3E8, s26, s9, $0xb8;
	[tilespmem:$0x1F028] =	vst v63  }
0xd3: {  	_ =	swait.ge [sflag:s7], $0x7D00  }
0xd4: {  	[sflag:s7] =	ssyncset.done $0x0  }
0xd5: {  	s0 =	rddreg [dreg:$0xa];
	[sflag:s7] =	ssyncadd.s32 $0xFFFF8300  }
0xd6: {  	[tilespmem:s10], [sflag:$0x1] =	stream.linear.gather [hbm4b:s0+s2], $0x7D00, $0x38;
	[tilespmem:$0x1F028] =	vst v63  }
0xd7: {  	_ =	swait.ge [sflag:s11], $0x7D00  }
0xd8: {  	[sflag:s11] =	ssyncset.done $0x0  }
0xd9: {  	[sflag:s11] =	ssyncadd.s32 $0xFFFF8300  }
0xda: {  	[spmem:s1] =	stream.indirect.scatter.add.f32 [tilespmem:s6], [sflag:$0x4], $0x3E8, s25, s9, $0xb8;
	[tilespmem:$0x1F028] =	vst v63  }
0xdb: {  	_ =	swait.ge [sflag:s5], $0x7D00  }
0xdc: {  	[sflag:s5] =	ssyncset.done $0x0  }
0xdd: {  	s0 =	rddreg [dreg:$0xb];
	[sflag:s5] =	ssyncadd.s32 $0xFFFF8300  }
0xde: {  	[tilespmem:s6], [sflag:$0x2] =	stream.linear.gather [hbm4b:s0+s2], $0x7D00, $0x38;
	[tilespmem:$0x1F028] =	vst v63  }
0xdf: {  	_ =	swait.ge [sflag:s12], $0x7D00  }
0xe0: {  	[sflag:s12] =	ssyncset.done $0x0  }
0xe1: {  	[sflag:s12] =	ssyncadd.s32 $0xFFFF8300  }
0xe2: {  	[spmem:s1] =	stream.indirect.scatter.add.f32 [tilespmem:s10], [sflag:$0x3], $0x3E8, s24, s9, $0xb8;
	[tilespmem:$0x1F028] =	vst v63  }
0xe3: {  	_ =	swait.ge [sflag:s7], $0x7D00  }
0xe4: {  	[sflag:s7] =	ssyncset.done $0x0  }
0xe5: {  	s0 =	rddreg [dreg:$0xc];
	[sflag:s7] =	ssyncadd.s32 $0xFFFF8300  }
0xe6: {  	[tilespmem:s10], [sflag:$0x1] =	stream.linear.gather [hbm4b:s0+s2], $0x7D00, $0x38;
	[tilespmem:$0x1F028] =	vst v63  }
0xe7: {  	_ =	swait.ge [sflag:s11], $0x7D00  }
0xe8: {  	[sflag:s11] =	ssyncset.done $0x0  }
0xe9: {  	[sflag:s11] =	ssyncadd.s32 $0xFFFF8300  }
0xea: {  	[spmem:s1] =	stream.indirect.scatter.add.f32 [tilespmem:s6], [sflag:$0x4], $0x3E8, s23, s9, $0xb8;
	[tilespmem:$0x1F028] =	vst v63  }
0xeb: {  	_ =	swait.ge [sflag:s5], $0x7D00  }
0xec: {  	[sflag:s5] =	ssyncset.done $0x0  }
0xed: {  	s0 =	rddreg [dreg:$0xd];
	[sflag:s5] =	ssyncadd.s32 $0xFFFF8300  }
0xee: {  	[tilespmem:s6], [sflag:$0x2] =	stream.linear.gather [hbm4b:s0+s2], $0x7D00, $0x38;
	[tilespmem:$0x1F028] =	vst v63  }
0xef: {  	_ =	swait.ge [sflag:s12], $0x7D00  }
0xf0: {  	[sflag:s12] =	ssyncset.done $0x0  }
0xf1: {  	[sflag:s12] =	ssyncadd.s32 $0xFFFF8300  }
0xf2: {  	[spmem:s1] =	stream.indirect.scatter.add.f32 [tilespmem:s10], [sflag:$0x3], $0x3E8, s22, s9, $0xb8;
	[tilespmem:$0x1F028] =	vst v63  }
0xf3: {  	_ =	swait.ge [sflag:s7], $0x7D00  }
0xf4: {  	[sflag:s7] =	ssyncset.done $0x0  }
0xf5: {  	s0 =	rddreg [dreg:$0xe];
	[sflag:s7] =	ssyncadd.s32 $0xFFFF8300  }
0xf6: {  	[tilespmem:s10], [sflag:$0x1] =	stream.linear.gather [hbm4b:s0+s2], $0x7D00, $0x38;
	[tilespmem:$0x1F028] =	vst v63  }
0xf7: {  	_ =	swait.ge [sflag:s11], $0x7D00  }
0xf8: {  	[sflag:s11] =	ssyncset.done $0x0  }
0xf9: {  	[sflag:s11] =	ssyncadd.s32 $0xFFFF8300  }
0xfa: {  	[spmem:s1] =	stream.indirect.scatter.add.f32 [tilespmem:s6], [sflag:$0x4], $0x3E8, s21, s9, $0xb8;
	[tilespmem:$0x1F028] =	vst v63  }
0xfb: {  	_ =	swait.ge [sflag:s5], $0x7D00  }
0xfc: {  	[sflag:s5] =	ssyncset.done $0x0  }
0xfd: {  	s0 =	rddreg [dreg:$0xf];
	[sflag:s5] =	ssyncadd.s32 $0xFFFF8300  }
0xfe: {  	[tilespmem:s6], [sflag:$0x2] =	stream.linear.gather [hbm4b:s0+s2], $0x7D00, $0x38;
	[tilespmem:$0x1F028] =	vst v63  }
0xff: {  	_ =	swait.ge [sflag:s12], $0x7D00  }
0x100: {  	[sflag:s12] =	ssyncset.done $0x0  }
0x101: {  	[sflag:s12] =	ssyncadd.s32 $0xFFFF8300  }
0x102: {  	[spmem:s1] =	stream.indirect.scatter.add.f32 [tilespmem:s10], [sflag:$0x3], $0x3E8, s20, s9, $0xb8;
	[tilespmem:$0x1F028] =	vst v63  }
0x103: {  	_ =	swait.ge [sflag:s7], $0x7D00  }
0x104: {  	[sflag:s7] =	ssyncset.done $0x0  }
0x105: {  	s0 =	rddreg [dreg:$0x10];
	[sflag:s7] =	ssyncadd.s32 $0xFFFF8300  }
0x106: {  	[tilespmem:s10], [sflag:$0x1] =	stream.linear.gather [hbm4b:s0+s2], $0x7D00, $0x38;
	[tilespmem:$0x1F028] =	vst v63  }
0x107: {  	_ =	swait.ge [sflag:s11], $0x7D00  }
0x108: {  	[sflag:s11] =	ssyncset.done $0x0  }
0x109: {  	[sflag:s11] =	ssyncadd.s32 $0xFFFF8300  }
0x10a: {  	[spmem:s1] =	stream.indirect.scatter.add.f32 [tilespmem:s6], [sflag:$0x4], $0x3E8, s19, s9, $0xb8;
	[tilespmem:$0x1F028] =	vst v63  }
0x10b: {  	_ =	swait.ge [sflag:s5], $0x7D00  }
0x10c: {  	[sflag:s5] =	ssyncset.done $0x0  }
0x10d: {  	s0 =	rddreg [dreg:$0x11];
	[sflag:s5] =	ssyncadd.s32 $0xFFFF8300  }
0x10e: {  	[tilespmem:s6], [sflag:$0x2] =	stream.linear.gather [hbm4b:s0+s2], $0x7D00, $0x38;
	[tilespmem:$0x1F028] =	vst v63  }
0x10f: {  	_ =	swait.ge [sflag:s12], $0x7D00  }
0x110: {  	[sflag:s12] =	ssyncset.done $0x0  }
0x111: {  	[sflag:s12] =	ssyncadd.s32 $0xFFFF8300  }
0x112: {  	[spmem:s1] =	stream.indirect.scatter.add.f32 [tilespmem:s10], [sflag:$0x3], $0x3E8, s18, s9, $0xb8;
	[tilespmem:$0x1F028] =	vst v63  }
0x113: {  	_ =	swait.ge [sflag:s7], $0x7D00  }
0x114: {  	[sflag:s7] =	ssyncset.done $0x0  }
0x115: {  	s0 =	rddreg [dreg:$0x12];
	[sflag:s7] =	ssyncadd.s32 $0xFFFF8300  }
0x116: {  	[tilespmem:s10], [sflag:$0x1] =	stream.linear.gather [hbm4b:s0+s2], $0x7D00, $0x38;
	[tilespmem:$0x1F028] =	vst v63  }
0x117: {  	_ =	swait.ge [sflag:s11], $0x7D00  }
0x118: {  	[sflag:s11] =	ssyncset.done $0x0  }
0x119: {  	[sflag:s11] =	ssyncadd.s32 $0xFFFF8300  }
0x11a: {  	[spmem:s1] =	stream.indirect.scatter.add.f32 [tilespmem:s6], [sflag:$0x4], $0x3E8, s17, s9, $0xb8;
	[tilespmem:$0x1F028] =	vst v63  }
0x11b: {  	_ =	swait.ge [sflag:s5], $0x7D00  }
0x11c: {  	[sflag:s5] =	ssyncset.done $0x0  }
0x11d: {  	s0 =	rddreg [dreg:$0x13];
	[sflag:s5] =	ssyncadd.s32 $0xFFFF8300  }
0x11e: {  	[tilespmem:s6], [sflag:$0x2] =	stream.linear.gather [hbm4b:s0+s2], $0x7D00, $0x38;
	[tilespmem:$0x1F028] =	vst v63  }
0x11f: {  	_ =	swait.ge [sflag:s12], $0x7D00  }
0x120: {  	[sflag:s12] =	ssyncset.done $0x0  }
0x121: {  	[sflag:s12] =	ssyncadd.s32 $0xFFFF8300  }
0x122: {  	[spmem:s1] =	stream.indirect.scatter.add.f32 [tilespmem:s10], [sflag:$0x3], $0x3E8, s16, s9, $0xb8;
	[tilespmem:$0x1F028] =	vst v63  }
0x123: {  	_ =	swait.ge [sflag:s7], $0x7D00  }
0x124: {  	[sflag:s7] =	ssyncset.done $0x0  }
0x125: {  	s0 =	rddreg [dreg:$0x14];
	[sflag:s7] =	ssyncadd.s32 $0xFFFF8300  }
0x126: {  	[tilespmem:s10], [sflag:$0x1] =	stream.linear.gather [hbm4b:s0+s2], $0x7D00, $0x38;
	[tilespmem:$0x1F028] =	vst v63  }
0x127: {  	_ =	swait.ge [sflag:s11], $0x7D00  }
0x128: {  	[sflag:s11] =	ssyncset.done $0x0  }
0x129: {  	[sflag:s11] =	ssyncadd.s32 $0xFFFF8300  }
0x12a: {  	[spmem:s1] =	stream.indirect.scatter.add.f32 [tilespmem:s6], [sflag:$0x4], $0x3E8, s15, s9, $0xb8;
	[tilespmem:$0x1F028] =	vst v63  }
0x12b: {  	_ =	swait.ge [sflag:s5], $0x7D00  }
0x12c: {  	[sflag:s5] =	ssyncset.done $0x0  }
0x12d: {  	[sflag:s5] =	ssyncadd.s32 $0xFFFF8300  }
0x12e: {  	[tilespmem:s6], [sflag:$0x2] =	stream.linear.gather [hbm4b:s8+s2], $0x7D00, $0x38;
	[tilespmem:$0x1F028] =	vst v63  }
0x12f: {  	_ =	swait.ge [sflag:s12], $0x7D00  }
0x130: {  	[sflag:s12] =	ssyncset.done $0x0  }
0x131: {  	[sflag:s12] =	ssyncadd.s32 $0xFFFF8300  }
0x132: {  	[spmem:s1] =	stream.indirect.scatter.add.f32 [tilespmem:s10], [sflag:$0x3], $0x3E8, s14, s9, $0xb8;
	[tilespmem:$0x1F028] =	vst v63  }
0x133: {  	_ =	swait.ge [sflag:s11], $0x7D00  }
0x134: {  	[sflag:s11] =	ssyncset.done $0x0  }
0x135: {  	s13 =	simm.s32 $0x1E0;
	[sflag:s11] =	ssyncadd.s32 $0xFFFF8300  }
0x136: {  	[spmem:s1] =	stream.indirect.scatter.add.f32 [tilespmem:s6], [sflag:$0x4], $0x3E8, s13, s9, $0xb8;
	[tilespmem:$0x1F028] =	vst v63  }
0x137: {  	_ =	swait.ge [sflag:s7], $0x7D00  }
0x138: {  	[sflag:s7] =	ssyncset.done $0x0  }
0x139: {  	[sflag:s7] =	ssyncadd.s32 $0xFFFF8300  }
0x13a: {  	s31 =	sadd.s32 $0xFFFFFFFF, s31;
	_ =	swait.ge [sflag:s5], $0x7D00  }
0x13b: {  	p2 =	sne.s32 s31, $0x0;
	[sflag:s5] =	ssyncset.done $0x0  }
.Ltmp2:
0x13c: {  	[sflag:s5] =	ssyncadd.s32 $0xFFFF8300;
	(pc) =	sbr.rel @p2 .LBB2_4-.Ltmp2, $4  }
0x13d: {  	[bflag:$0x0] =	sbarrier.arrive $0xFFFF  }
0x13e: {  	[hbm:s3], [sflag:s30] =	dma.local @!p0 [spmem:s4], $0x1E848  }
0x13f: {  	_ =	swait.ge @!p0 [sflag:s29], $0x1E848  }
0x140: {  	s0 =	rddreg [dreg:$0x4];
	[sflag:s29] =	ssyncset.done @!p0 $0x0  }
0x141: {  	s30 =	simm.s32 $0x1E0;
	s31 =	rddreg [dreg:$0x3]  }
.LBB2_6:
0x142: {  	p1 =	por p0, !p1  }
0x143: {  	s13 =	simm.s32 @!p0 $0x1C05;
	[sflag:s29] =	ssyncadd.s32 @!p1 $0xFFFE17B8;
	s29 =	simm.s32 @!p0 $0x5  }
0x144: {  	[spmem:s4], [sflag:s13] =	dma.local @!p0 [hbm:s0], $0x1E848  }
0x145: {  	_ =	swait.ge @!p0 [sflag:s29], $0x1E848  }
0x146: {  	[sflag:s29] =	ssyncset.done @!p0 $0x0  }
0x147: {  	[sflag:s29] =	ssyncadd.s32 @!p0 $0xFFFE17B8  }
0x148: {  	[bflag:$0x0] =	sbarrier.arrive $0xFFFF  }
0x149: {  	s13 =	rddreg [dreg:$0x5]  }
0x14a: {  	[tilespmem:s2], [sflag:$0x5] =	stream.linear.gather [hbm4b:s13+s2], $0x200, $0x38;
	[tilespmem:$0x1F028] =	vst v63  }
0x14b: {  	_ =	swait.ge [sflag:s28], $0x200  }
0x14c: {  	[sflag:s28] =	ssyncset.done $0x0  }
0x14d: {  	s13 =	rddreg [dreg:$0x6];
	[sflag:s28] =	ssyncadd.s32 $0xFFFFFE00  }
0x14e: {  	[tilespmem:s10], [sflag:$0x1] =	stream.linear.gather [hbm4b:s13+s2], $0x7D00, $0x38;
	[tilespmem:$0x1F028] =	vst v63  }
0x14f: {  	s28 =	rddreg [dreg:$0x7]  }
0x150: {  	[tilespmem:s6], [sflag:$0x2] =	stream.linear.gather [hbm4b:s28+s2], $0x7D00, $0x38;
	[tilespmem:$0x1F028] =	vst v63  }
0x151: {  	_ =	swait.ge [sflag:s12], $0x7D00  }
0x152: {  	[sflag:s12] =	ssyncset.done $0x0  }
0x153: {  	[sflag:s12] =	ssyncadd.s32 $0xFFFF8300  }
0x154: {  	[spmem:s1] =	stream.indirect.scatter.add.f32 [tilespmem:s10], [sflag:$0x3], $0x3E8, s2, s9, $0xb8;
	[tilespmem:$0x1F028] =	vst v63  }
0x155: {  	_ =	swait.ge [sflag:s7], $0x7D00  }
0x156: {  	[sflag:s7] =	ssyncset.done $0x0  }
0x157: {  	s13 =	rddreg [dreg:$0x8];
	[sflag:s7] =	ssyncadd.s32 $0xFFFF8300  }
0x158: {  	[tilespmem:s10], [sflag:$0x1] =	stream.linear.gather [hbm4b:s13+s2], $0x7D00, $0x38;
	[tilespmem:$0x1F028] =	vst v63  }
0x159: {  	_ =	swait.ge [sflag:s11], $0x7D00  }
0x15a: {  	[sflag:s11] =	ssyncset.done $0x0  }
0x15b: {  	[sflag:s11] =	ssyncadd.s32 $0xFFFF8300  }
0x15c: {  	[spmem:s1] =	stream.indirect.scatter.add.f32 [tilespmem:s6], [sflag:$0x4], $0x3E8, s9, s9, $0xb8;
	[tilespmem:$0x1F028] =	vst v63  }
0x15d: {  	_ =	swait.ge [sflag:s5], $0x7D00  }
0x15e: {  	[sflag:s5] =	ssyncset.done $0x0  }
0x15f: {  	s28 =	rddreg [dreg:$0x9];
	[sflag:s5] =	ssyncadd.s32 $0xFFFF8300  }
0x160: {  	[tilespmem:s6], [sflag:$0x2] =	stream.linear.gather [hbm4b:s28+s2], $0x7D00, $0x38;
	[tilespmem:$0x1F028] =	vst v63  }
0x161: {  	_ =	swait.ge [sflag:s12], $0x7D00  }
0x162: {  	[sflag:s12] =	ssyncset.done $0x0  }
0x163: {  	[sflag:s12] =	ssyncadd.s32 $0xFFFF8300  }
0x164: {  	[spmem:s1] =	stream.indirect.scatter.add.f32 [tilespmem:s10], [sflag:$0x3], $0x3E8, s26, s9, $0xb8;
	[tilespmem:$0x1F028] =	vst v63  }
0x165: {  	_ =	swait.ge [sflag:s7], $0x7D00  }
0x166: {  	[sflag:s7] =	ssyncset.done $0x0  }
0x167: {  	s13 =	rddreg [dreg:$0xa];
	[sflag:s7] =	ssyncadd.s32 $0xFFFF8300  }
0x168: {  	[tilespmem:s10], [sflag:$0x1] =	stream.linear.gather [hbm4b:s13+s2], $0x7D00, $0x38;
	[tilespmem:$0x1F028] =	vst v63  }
0x169: {  	_ =	swait.ge [sflag:s11], $0x7D00  }
0x16a: {  	[sflag:s11] =	ssyncset.done $0x0  }
0x16b: {  	[sflag:s11] =	ssyncadd.s32 $0xFFFF8300  }
0x16c: {  	[spmem:s1] =	stream.indirect.scatter.add.f32 [tilespmem:s6], [sflag:$0x4], $0x3E8, s25, s9, $0xb8;
	[tilespmem:$0x1F028] =	vst v63  }
0x16d: {  	_ =	swait.ge [sflag:s5], $0x7D00  }
0x16e: {  	[sflag:s5] =	ssyncset.done $0x0  }
0x16f: {  	s25 =	rddreg [dreg:$0xb];
	[sflag:s5] =	ssyncadd.s32 $0xFFFF8300  }
0x170: {  	[tilespmem:s6], [sflag:$0x2] =	stream.linear.gather [hbm4b:s25+s2], $0x7D00, $0x38;
	[tilespmem:$0x1F028] =	vst v63  }
0x171: {  	_ =	swait.ge [sflag:s12], $0x7D00  }
0x172: {  	[sflag:s12] =	ssyncset.done $0x0  }
0x173: {  	[sflag:s12] =	ssyncadd.s32 $0xFFFF8300  }
0x174: {  	[spmem:s1] =	stream.indirect.scatter.add.f32 [tilespmem:s10], [sflag:$0x3], $0x3E8, s24, s9, $0xb8;
	[tilespmem:$0x1F028] =	vst v63  }
0x175: {  	_ =	swait.ge [sflag:s7], $0x7D00  }
0x176: {  	[sflag:s7] =	ssyncset.done $0x0  }
0x177: {  	s26 =	rddreg [dreg:$0xc];
	[sflag:s7] =	ssyncadd.s32 $0xFFFF8300  }
0x178: {  	[tilespmem:s10], [sflag:$0x1] =	stream.linear.gather [hbm4b:s26+s2], $0x7D00, $0x38;
	[tilespmem:$0x1F028] =	vst v63  }
0x179: {  	_ =	swait.ge [sflag:s11], $0x7D00  }
0x17a: {  	[sflag:s11] =	ssyncset.done $0x0  }
0x17b: {  	[sflag:s11] =	ssyncadd.s32 $0xFFFF8300  }
0x17c: {  	[spmem:s1] =	stream.indirect.scatter.add.f32 [tilespmem:s6], [sflag:$0x4], $0x3E8, s23, s9, $0xb8;
	[tilespmem:$0x1F028] =	vst v63  }
0x17d: {  	_ =	swait.ge [sflag:s5], $0x7D00  }
0x17e: {  	[sflag:s5] =	ssyncset.done $0x0  }
0x17f: {  	s28 =	rddreg [dreg:$0xd];
	[sflag:s5] =	ssyncadd.s32 $0xFFFF8300  }
0x180: {  	[tilespmem:s6], [sflag:$0x2] =	stream.linear.gather [hbm4b:s28+s2], $0x7D00, $0x38;
	[tilespmem:$0x1F028] =	vst v63  }
0x181: {  	_ =	swait.ge [sflag:s12], $0x7D00  }
0x182: {  	[sflag:s12] =	ssyncset.done $0x0  }
0x183: {  	[sflag:s12] =	ssyncadd.s32 $0xFFFF8300  }
0x184: {  	[spmem:s1] =	stream.indirect.scatter.add.f32 [tilespmem:s10], [sflag:$0x3], $0x3E8, s22, s9, $0xb8;
	[tilespmem:$0x1F028] =	vst v63  }
0x185: {  	_ =	swait.ge [sflag:s7], $0x7D00  }
0x186: {  	[sflag:s7] =	ssyncset.done $0x0  }
0x187: {  	s13 =	rddreg [dreg:$0xe];
	[sflag:s7] =	ssyncadd.s32 $0xFFFF8300  }
0x188: {  	[tilespmem:s10], [sflag:$0x1] =	stream.linear.gather [hbm4b:s13+s2], $0x7D00, $0x38;
	[tilespmem:$0x1F028] =	vst v63  }
0x189: {  	_ =	swait.ge [sflag:s11], $0x7D00  }
0x18a: {  	[sflag:s11] =	ssyncset.done $0x0  }
0x18b: {  	[sflag:s11] =	ssyncadd.s32 $0xFFFF8300  }
0x18c: {  	[spmem:s1] =	stream.indirect.scatter.add.f32 [tilespmem:s6], [sflag:$0x4], $0x3E8, s21, s9, $0xb8;
	[tilespmem:$0x1F028] =	vst v63  }
0x18d: {  	_ =	swait.ge [sflag:s5], $0x7D00  }
0x18e: {  	[sflag:s5] =	ssyncset.done $0x0  }
0x18f: {  	s22 =	rddreg [dreg:$0xf];
	[sflag:s5] =	ssyncadd.s32 $0xFFFF8300  }
0x190: {  	[tilespmem:s6], [sflag:$0x2] =	stream.linear.gather [hbm4b:s22+s2], $0x7D00, $0x38;
	[tilespmem:$0x1F028] =	vst v63  }
0x191: {  	_ =	swait.ge [sflag:s12], $0x7D00  }
0x192: {  	[sflag:s12] =	ssyncset.done $0x0  }
0x193: {  	[sflag:s12] =	ssyncadd.s32 $0xFFFF8300  }
0x194: {  	[spmem:s1] =	stream.indirect.scatter.add.f32 [tilespmem:s10], [sflag:$0x3], $0x3E8, s20, s9, $0xb8;
	[tilespmem:$0x1F028] =	vst v63  }
0x195: {  	_ =	swait.ge [sflag:s7], $0x7D00  }
0x196: {  	[sflag:s7] =	ssyncset.done $0x0  }
0x197: {  	s23 =	rddreg [dreg:$0x10];
	[sflag:s7] =	ssyncadd.s32 $0xFFFF8300  }
0x198: {  	[tilespmem:s10], [sflag:$0x1] =	stream.linear.gather [hbm4b:s23+s2], $0x7D00, $0x38;
	[tilespmem:$0x1F028] =	vst v63  }
0x199: {  	_ =	swait.ge [sflag:s11], $0x7D00  }
0x19a: {  	[sflag:s11] =	ssyncset.done $0x0  }
0x19b: {  	[sflag:s11] =	ssyncadd.s32 $0xFFFF8300  }
0x19c: {  	[spmem:s1] =	stream.indirect.scatter.add.f32 [tilespmem:s6], [sflag:$0x4], $0x3E8, s19, s9, $0xb8;
	[tilespmem:$0x1F028] =	vst v63  }
0x19d: {  	_ =	swait.ge [sflag:s5], $0x7D00  }
0x19e: {  	[sflag:s5] =	ssyncset.done $0x0  }
0x19f: {  	s24 =	rddreg [dreg:$0x11];
	[sflag:s5] =	ssyncadd.s32 $0xFFFF8300  }
0x1a0: {  	[tilespmem:s6], [sflag:$0x2] =	stream.linear.gather [hbm4b:s24+s2], $0x7D00, $0x38;
	[tilespmem:$0x1F028] =	vst v63  }
0x1a1: {  	_ =	swait.ge [sflag:s12], $0x7D00  }
0x1a2: {  	[sflag:s12] =	ssyncset.done $0x0  }
0x1a3: {  	[sflag:s12] =	ssyncadd.s32 $0xFFFF8300  }
0x1a4: {  	[spmem:s1] =	stream.indirect.scatter.add.f32 [tilespmem:s10], [sflag:$0x3], $0x3E8, s18, s9, $0xb8;
	[tilespmem:$0x1F028] =	vst v63  }
0x1a5: {  	_ =	swait.ge [sflag:s7], $0x7D00  }
0x1a6: {  	[sflag:s7] =	ssyncset.done $0x0  }
0x1a7: {  	s25 =	rddreg [dreg:$0x12];
	[sflag:s7] =	ssyncadd.s32 $0xFFFF8300  }
0x1a8: {  	[tilespmem:s10], [sflag:$0x1] =	stream.linear.gather [hbm4b:s25+s2], $0x7D00, $0x38;
	[tilespmem:$0x1F028] =	vst v63  }
0x1a9: {  	_ =	swait.ge [sflag:s11], $0x7D00  }
0x1aa: {  	[sflag:s11] =	ssyncset.done $0x0  }
0x1ab: {  	[sflag:s11] =	ssyncadd.s32 $0xFFFF8300  }
0x1ac: {  	[spmem:s1] =	stream.indirect.scatter.add.f32 [tilespmem:s6], [sflag:$0x4], $0x3E8, s17, s9, $0xb8;
	[tilespmem:$0x1F028] =	vst v63  }
0x1ad: {  	_ =	swait.ge [sflag:s5], $0x7D00  }
0x1ae: {  	[sflag:s5] =	ssyncset.done $0x0  }
0x1af: {  	s26 =	rddreg [dreg:$0x13];
	[sflag:s5] =	ssyncadd.s32 $0xFFFF8300  }
0x1b0: {  	[tilespmem:s6], [sflag:$0x2] =	stream.linear.gather [hbm4b:s26+s2], $0x7D00, $0x38;
	[tilespmem:$0x1F028] =	vst v63  }
0x1b1: {  	_ =	swait.ge [sflag:s12], $0x7D00  }
0x1b2: {  	[sflag:s12] =	ssyncset.done $0x0  }
0x1b3: {  	[sflag:s12] =	ssyncadd.s32 $0xFFFF8300  }
0x1b4: {  	[spmem:s1] =	stream.indirect.scatter.add.f32 [tilespmem:s10], [sflag:$0x3], $0x3E8, s16, s9, $0xb8;
	[tilespmem:$0x1F028] =	vst v63  }
0x1b5: {  	_ =	swait.ge [sflag:s7], $0x7D00  }
0x1b6: {  	[sflag:s7] =	ssyncset.done $0x0  }
0x1b7: {  	s28 =	rddreg [dreg:$0x14];
	[sflag:s7] =	ssyncadd.s32 $0xFFFF8300  }
0x1b8: {  	[tilespmem:s10], [sflag:$0x1] =	stream.linear.gather [hbm4b:s28+s2], $0x7D00, $0x38;
	[tilespmem:$0x1F028] =	vst v63  }
0x1b9: {  	_ =	swait.ge [sflag:s11], $0x7D00  }
0x1ba: {  	[sflag:s11] =	ssyncset.done $0x0  }
0x1bb: {  	[sflag:s11] =	ssyncadd.s32 $0xFFFF8300  }
0x1bc: {  	[spmem:s1] =	stream.indirect.scatter.add.f32 [tilespmem:s6], [sflag:$0x4], $0x3E8, s15, s9, $0xb8;
	[tilespmem:$0x1F028] =	vst v63  }
0x1bd: {  	_ =	swait.ge [sflag:s5], $0x7D00  }
0x1be: {  	[sflag:s5] =	ssyncset.done $0x0  }
0x1bf: {  	[sflag:s5] =	ssyncadd.s32 $0xFFFF8300  }
0x1c0: {  	[tilespmem:s6], [sflag:$0x2] =	stream.linear.gather [hbm4b:s8+s2], $0x7D00, $0x38;
	[tilespmem:$0x1F028] =	vst v63  }
0x1c1: {  	_ =	swait.ge [sflag:s12], $0x7D00  }
0x1c2: {  	[sflag:s12] =	ssyncset.done $0x0  }
0x1c3: {  	[sflag:s12] =	ssyncadd.s32 $0xFFFF8300  }
0x1c4: {  	[spmem:s1] =	stream.indirect.scatter.add.f32 [tilespmem:s10], [sflag:$0x3], $0x3E8, s14, s9, $0xb8;
	[tilespmem:$0x1F028] =	vst v63  }
0x1c5: {  	_ =	swait.ge [sflag:s11], $0x7D00  }
0x1c6: {  	[sflag:s11] =	ssyncset.done $0x0  }
0x1c7: {  	[sflag:s11] =	ssyncadd.s32 $0xFFFF8300  }
0x1c8: {  	[spmem:s1] =	stream.indirect.scatter.add.f32 [tilespmem:s6], [sflag:$0x4], $0x3E8, s30, s9, $0xb8;
	[tilespmem:$0x1F028] =	vst v63  }
0x1c9: {  	_ =	swait.ge [sflag:s7], $0x7D00  }
0x1ca: {  	[sflag:s7] =	ssyncset.done $0x0  }
0x1cb: {  	[sflag:s7] =	ssyncadd.s32 $0xFFFF8300  }
0x1cc: {  	_ =	swait.ge [sflag:s5], $0x7D00  }
0x1cd: {  	[sflag:s5] =	ssyncset.done $0x0  }
0x1ce: {  	[sflag:s5] =	ssyncadd.s32 $0xFFFF8300  }
0x1cf: {  	s0 =	simm.s32 @!p0 $0x1C05;
	[bflag:$0x0] =	sbarrier.arrive $0xFFFF  }
0x1d0: {  	[hbm:s3], [sflag:s0] =	dma.local @!p0 [spmem:s4], $0x1E848  }
0x1d1: {  	_ =	swait.ge @!p0 [sflag:s29], $0x1E848  }
0x1d2: {  	[sflag:s29] =	ssyncset.done @!p0 $0x0  }
0x1d3: {  	[sflag:s29] =	ssyncadd.s32 @!p0 $0xFFFE17B8  }
0x1d4: {  	_ =	sfence.sel $0x180000  }
0x1d5: {  	[bflag:$0x0] =	sbarrier.arrive $0xFFFF  }
0x1d6: {  	_ =	strace $0x90000047  }
0x1d7: {  	s0 =	sadd.s32 @!p0 $0x100000, s31;
	[bflag:$0x2] =	sbarrier.arrive $0xFFFF  }
0x1d8: {  	[sflag:s0] =	ssyncadd.tile.s32 @!p0 $0x1;
	_ =	shalt  }
.LBB2_1:
.Ltmp3:
0x1d9: {  	(pc) =	sbr.rel .LBB2_6-.Ltmp3, $2  }
0x1da: {  	_ =	sdelay $0x2  }
0x1db: {  	s30 =	simm.s32 $0x1E0  }
.LBB2_3:
.Ltmp4:
0x1dc: {  	(pc) =	sbr.rel .LBB2_6-.Ltmp4, $2  }
0x1dd: {  	_ =	sdelay $0x2  }
0x1de: {  	s30 =	simm.s32 $0x1E0;
	s31 =	rddreg [dreg:$0x3]  }
.Lfunc_end2:
_tile_overlayer_lowered:
.L_overlay_start_2:
0x1df: {  	(tag) =	ssettag $0x2  }
0x1e0: {  	s0 =	rddreg [dreg:$0x0];
	s2 =	stileid.u32  }
0x1e1: {  	s1 =	rddreg [dreg:$0x1];
	p0 =	sne.s32 s2, $0x0  }
0x1e2: {  	s3 =	rddreg [dreg:$0x2];
	[bflag:$0x3] =	sbarrier.arrive $0xFFFF;
	s2 =	simm.s32 @!p0 $0x1C05  }
0x1e3: {  	[timem:s3], [sflag:s2] =	dma.local @!p0 [hbm:s0], s1  }
0x1e4: {  	s0 =	simm.s32 @!p0 $0x5  }
0x1e5: {  	_ =	swait.ge @!p0 [sflag:s0], s1  }
0x1e6: {  	s1 =	ssub.s32 @!p0 $0x0, s1;
	[sflag:s0] =	ssyncset.done @!p0 $0x0  }
0x1e7: {  	[sflag:s0] =	ssyncadd.s32 @!p0 s1  }
0x1e8: {  	[bflag:$0x3] =	sbarrier.arrive $0xFFFF  }
0x1e9: {  	_ =	shalt  }

</sc_bundles>
